<compile_context>
chip_gen: v7x
topology: tpu7x:2x2x1
jax: 0.10.2.dev20260603
libtpu: 0.0.44.dev20260713+nightly
codegen_flags: <defaults>
</compile_context>

<pallas_src>
import functools

import jax
import jax.numpy as jnp
from jax import lax
from jax.experimental import pallas as pl
from jax.experimental.pallas import tpu as pltpu, tpu_sc as plsc

N = 10000
E = 160000
D = 256
DH = D // 2
NC = 2
NS = 16
EPT = E // NS
C = 80
NCH = EPT // C
CA = 125
NCHA = EPT // CA
WCH = 8
NW = NCHA // WCH
RPT = 624
TAIL = N - NS * RPT
RCP = 32
NPC = (RPT + TAIL) // RCP

_mesh = plsc.VectorSubcoreMesh(
    core_axis_name="c", subcore_axis_name="s", num_cores=NC, num_subcores=NS)


@functools.partial(
    pl.kernel,
    out_type=jax.ShapeDtypeStruct((NC * N,), jnp.float32),
    mesh=_mesh,
    scratch_types=[
        pltpu.VMEM((NCH, C), jnp.int32),
        pltpu.VMEM((C,), jnp.float32),
        pltpu.VMEM((RPT + TAIL,), jnp.float32),
        pltpu.VMEM_SHARED((N,), jnp.float32),
    ],
)
def _sc_degrees(idx_all, deg_out, e_v, ones_v, zb, deg_sh):
    c = lax.axis_index("c")
    s = lax.axis_index("s")
    pltpu.sync_copy(idx_all.at[c * NS + s], e_v)

    for k in range(C // 16):
        ones_v[pl.ds(k * 16, 16)] = jnp.ones((16,), jnp.float32)

    def _fillz(i, _):
        zb[pl.ds(i * 16, 16)] = jnp.zeros((16,), jnp.float32)
        return 0
    lax.fori_loop(0, (RPT + TAIL) // 16, _fillz, 0)

    pltpu.sync_copy(zb, deg_sh.at[pl.ds(s * RPT, RPT + TAIL)])
    plsc.subcore_barrier()

    def _chunk(j, _):
        pltpu.sync_copy(ones_v, deg_sh.at[e_v.at[j]], add=True)
        return 0
    lax.fori_loop(0, NCH, _chunk, 0)
    plsc.subcore_barrier()

    pltpu.sync_copy(deg_sh.at[pl.ds(s * RPT, RPT + TAIL)], zb)
    pltpu.sync_copy(zb, deg_out.at[pl.ds(c * N + s * RPT, RPT + TAIL)])


@functools.partial(
    pl.kernel,
    out_type=jax.ShapeDtypeStruct((NC * N, DH), jnp.float32),
    mesh=_mesh,
    scratch_types=[
        pltpu.VMEM((WCH, CA), jnp.int32),
        pltpu.VMEM((WCH, CA), jnp.int32),
        pltpu.VMEM((CA, DH), jnp.float32),
        pltpu.VMEM((CA, DH), jnp.float32),
        pltpu.VMEM((RCP, DH), jnp.float32),
        pltpu.VMEM_SHARED((N, DH), jnp.float32),
        pltpu.SemaphoreType.DMA,
        pltpu.SemaphoreType.DMA,
    ],
)
def _sc_aggregate(h, idx_agg, out, srcw, dstw, rows0, rows1, cb, acc_sh,
                  sem0, sem1):
    c = lax.axis_index("c")
    s = lax.axis_index("s")

    def _fillz(i, _):
        for k in range(DH // 16):
            cb[i, k * 16:(k + 1) * 16] = jnp.zeros((16,), jnp.float32)
        return 0
    lax.fori_loop(0, RCP, _fillz, 0)

    def _zpiece(p, _):
        pltpu.sync_copy(cb, acc_sh.at[pl.ds(s * RPT + p * RCP, RCP)])
        return 0
    lax.fori_loop(0, NPC, _zpiece, 0)
    plsc.subcore_barrier()

    def _win(w, _):
        pltpu.sync_copy(idx_agg.at[(c * 2 * NS + s) * NW + w], srcw)
        pltpu.sync_copy(idx_agg.at[(NS + s) * NW + w], dstw)
        pltpu.async_copy(h.at[srcw.at[0]], rows0, sem0)
        pltpu.async_copy(h.at[srcw.at[1]], rows1, sem1)

        def _pair(k, _2):
            pltpu.make_async_copy(h.at[srcw.at[2 * k]], rows0, sem0).wait()
            pltpu.sync_copy(rows0, acc_sh.at[dstw.at[2 * k]], add=True)
            pltpu.async_copy(h.at[srcw.at[2 * k + 2]], rows0, sem0)
            pltpu.make_async_copy(h.at[srcw.at[2 * k + 1]], rows1, sem1).wait()
            pltpu.sync_copy(rows1, acc_sh.at[dstw.at[2 * k + 1]], add=True)
            pltpu.async_copy(h.at[srcw.at[2 * k + 3]], rows1, sem1)
            return 0
        lax.fori_loop(0, WCH // 2 - 1, _pair, 0)
        pltpu.make_async_copy(h.at[srcw.at[WCH - 2]], rows0, sem0).wait()
        pltpu.sync_copy(rows0, acc_sh.at[dstw.at[WCH - 2]], add=True)
        pltpu.make_async_copy(h.at[srcw.at[WCH - 1]], rows1, sem1).wait()
        pltpu.sync_copy(rows1, acc_sh.at[dstw.at[WCH - 1]], add=True)
        return 0
    lax.fori_loop(0, NW, _win, 0)
    plsc.subcore_barrier()

    def _piece(p, _):
        pltpu.sync_copy(acc_sh.at[pl.ds(s * RPT + p * RCP, RCP)], cb)
        pltpu.sync_copy(cb, out.at[pl.ds(c * N + s * RPT + p * RCP, RCP)])
        return 0
    lax.fori_loop(0, NPC, _piece, 0)


_BR = 1000
_GRID = N // _BR


def _norm_from_deg(deg_col):
    return jnp.where(deg_col > 0.0,
                     lax.rsqrt(jnp.maximum(deg_col, 1.0)), 0.0)


def _tc_matmul_body(x_ref, w_ref, deg_ref, h_ref):
    norm = _norm_from_deg(deg_ref[0])
    hb = jnp.dot(x_ref[...] * norm, w_ref[...],
                 preferred_element_type=jnp.float32)
    h_ref[0] = hb[:, :DH]
    h_ref[1] = hb[:, DH:]


def _tc_matmul(x, w, hist):
    return pl.pallas_call(
        _tc_matmul_body,
        grid=(_GRID,),
        in_specs=[
            pl.BlockSpec((_BR, D), lambda i: (i, 0)),
            pl.BlockSpec((D, D), lambda i: (0, 0)),
            pl.BlockSpec((1, _BR, 1), lambda i: (0, i, 0)),
        ],
        out_specs=pl.BlockSpec((NC, _BR, DH), lambda i: (0, i, 0)),
        out_shape=jax.ShapeDtypeStruct((NC, N, DH), jnp.float32),
    )(x, w, hist)


def _tc_stats_body(agg_ref, hist_ref, b_ref, sums_ref):
    i = pl.program_id(0)
    a = jnp.concatenate([agg_ref[0], agg_ref[1]], axis=1)
    norm = _norm_from_deg(hist_ref[0])
    a = a * norm + b_ref[...]

    @pl.when(i == 0)
    def _():
        sums_ref[...] = jnp.zeros_like(sums_ref)

    sums_ref[0, :] += jnp.sum(a, axis=0)
    sums_ref[1, :] += jnp.sum(a * a, axis=0)


def _tc_stats(agg, hist, b2):
    return pl.pallas_call(
        _tc_stats_body,
        grid=(_GRID,),
        in_specs=[
            pl.BlockSpec((NC, _BR, DH), lambda i: (0, i, 0)),
            pl.BlockSpec((1, _BR, 1), lambda i: (1, i, 0)),
            pl.BlockSpec((1, D), lambda i: (0, 0)),
        ],
        out_specs=pl.BlockSpec((2, D), lambda i: (0, 0)),
        out_shape=jax.ShapeDtypeStruct((2, D), jnp.float32),
    )(agg, hist, b2)


def _tc_apply_body(agg_ref, hist_ref, sums_ref, x_ref, b_ref, g_ref, bt_ref,
                   out_ref):
    a = jnp.concatenate([agg_ref[0], agg_ref[1]], axis=1)
    norm = _norm_from_deg(hist_ref[0])
    a = a * norm + b_ref[...]
    mean = sums_ref[0:1, :] * (1.0 / N)
    var = sums_ref[1:2, :] * (1.0 / N) - mean * mean
    inv = lax.rsqrt(var + 1e-5)
    hbn = (a - mean) * inv * g_ref[...] + bt_ref[...]
    out_ref[...] = x_ref[...] + jnp.maximum(hbn, 0.0)


def _tc_apply(agg, hist, sums, x, b2, g2, bt2):
    return pl.pallas_call(
        _tc_apply_body,
        grid=(_GRID,),
        in_specs=[
            pl.BlockSpec((NC, _BR, DH), lambda i: (0, i, 0)),
            pl.BlockSpec((1, _BR, 1), lambda i: (1, i, 0)),
            pl.BlockSpec((2, D), lambda i: (0, 0)),
            pl.BlockSpec((_BR, D), lambda i: (i, 0)),
            pl.BlockSpec((1, D), lambda i: (0, 0)),
            pl.BlockSpec((1, D), lambda i: (0, 0)),
            pl.BlockSpec((1, D), lambda i: (0, 0)),
        ],
        out_specs=pl.BlockSpec((_BR, D), lambda i: (i, 0)),
        out_shape=jax.ShapeDtypeStruct((N, D), jnp.float32),
    )(agg, hist, sums, x, b2, g2, bt2)


def kernel(x, edge_index, W, b, gamma, beta):
    e32 = edge_index.astype(jnp.int32)
    er = e32.reshape(NC, NS, NCH, C)
    idx_all = jnp.concatenate([er[0], er[1]], axis=0)
    era = e32.reshape(NC, NS, NCHA, CA)
    idx_agg = jnp.concatenate([era[0], era[1], era[0] + N],
                              axis=0).reshape(48 * NW, WCH, CA)
    b2 = b.reshape(1, D).astype(jnp.float32)
    g2 = gamma.reshape(1, D).astype(jnp.float32)
    bt2 = beta.reshape(1, D).astype(jnp.float32)

    hist = _sc_degrees(idx_all).reshape(NC, N, 1)
    h = _tc_matmul(x, W, hist)
    agg = _sc_aggregate(h.reshape(NC * N, DH), idx_agg).reshape(NC, N, DH)
    sums = _tc_stats(agg, hist, b2)
    return _tc_apply(agg, hist, sums, x, b2, g2, bt2)

# --- scband reference (transcript-rebuilt; emitter-appended) ---
"""Pipeline reference for scband-gcnlayer-47682726920506 (READ-ONLY COPY).

The authoritative reference and input builder live on the scoring server;
editing this copy changes nothing except your own understanding.
"""

import jax, jax.numpy as jnp
import numpy as np

N = 10000
E = 160000
D = 256

def setup_inputs(seed: int = 0) -> dict:
    key = jax.random.key(seed)
    k1, k2, k3, k4 = jax.random.split(key, 4)
    x = jax.random.normal(k1, (N, D), dtype=jnp.float32)
    edge_index = jax.random.randint(k2, (2, E), 0, N)
    W = jax.random.normal(k3, (D, D), dtype=jnp.float32) * (1.0 / np.sqrt(D))
    b = jnp.zeros((D,), dtype=jnp.float32)
    gamma = jnp.ones((D,), dtype=jnp.float32)
    beta = jnp.zeros((D,), dtype=jnp.float32)
    return {"x": x, "edge_index": edge_index, "W": W, "b": b, "gamma": gamma, "beta": beta}

def reference(x, edge_index, W, b, gamma, beta):
    # DGL GraphConv with norm='both': h = D_in^{-1/2} A D_out^{-1/2} x W + b
    src = edge_index[0]
    dst = edge_index[1]
    n = x.shape[0]
    ones = jnp.ones((src.shape[0],), dtype=jnp.float32)
    deg_out = jax.ops.segment_sum(ones, src, num_segments=n)
    deg_in = jax.ops.segment_sum(ones, dst, num_segments=n)
    norm_out = jnp.where(deg_out > 0, jax.lax.rsqrt(jnp.maximum(deg_out, 1.0)), 0.0)
    norm_in = jnp.where(deg_in > 0, jax.lax.rsqrt(jnp.maximum(deg_in, 1.0)), 0.0)
    h = x * norm_out[:, None]
    h = h @ W
    m = jnp.take(h, src, axis=0)
    agg = jax.ops.segment_sum(m, dst, num_segments=n)
    agg = agg * norm_in[:, None] + b
    # BatchNorm1d (training-mode batch statistics, eps=1e-5)
    mean = jnp.mean(agg, axis=0)
    var = jnp.var(agg, axis=0)
    hbn = (agg - mean) * jax.lax.rsqrt(var + 1e-5) * gamma + beta
    # activation: relu
    hact = jax.nn.relu(hbn)
    # residual (in_dim == out_dim)
    out = x + hact
    # dropout p=0.0 -> identity
    return out

if __name__ == "__main__":
    import jax
    _d = setup_inputs()
    print(jax.jit(kernel)(*tuple(_d.values())))

</pallas_src>

<mosaic_0001>
#map = affine_map<(d0, d1) -> (0, 0, 0)>
#map1 = affine_map<(d0, d1) -> (0)>
module attributes {stable_mosaic.version = 14 : i64} {
  func.func @_sc_degrees(%arg0: i32, %arg1: i32, %arg2: memref<32x125x80xi32, #tpu.memory_space<hbm>>, %arg3: memref<20000xf32, #tpu.memory_space<hbm>>, %arg4: memref<125x80xi32, #tpu.memory_space<vmem>>, %arg5: memref<80xf32, #tpu.memory_space<vmem>>, %arg6: memref<640xf32, #tpu.memory_space<vmem>>, %arg7: memref<10000xf32, #tpu.memory_space<vmem_shared>>) attributes {dimension_semantics = [#tpu.dimension_semantics<core_parallel>, #tpu.dimension_semantics<subcore_parallel>], iteration_bounds = array<i64: 2, 16>, scalar_prefetch = 0 : i64, scratch_operands = 4 : i64, tpu.core_type = #tpu.core_type<sc_vector_subcore>, window_params = [{transform_indices = #map}, {transform_indices = #map1}]} {
    %mul3A = arith.constant 16 : i32
    %mul3A_0 = arith.muli %arg0, %mul3A : i32
    %add3A = arith.addi %mul3A_0, %arg1 : i32
    "tpu.region"() ({
      %run_scoped3A = tpu.sem_alloc : memref<!tpu.dma_semaphore, #tpu.memory_space<semaphore_mem>>
      %dma_start3A = arith.constant 0 : i32
      %dma_start3A_52 = arith.constant 0 : i32
      %dma_start3A_53 = tpu.memref_slice %arg2[%add3A, %dma_start3A, %dma_start3A_52] : memref<32x125x80xi32, #tpu.memory_space<hbm>> -> memref<1x125x80xi32, #tpu.memory_space<hbm>>
      %dma_start3A_54 = tpu.memref_squeeze %dma_start3A_53 : memref<1x125x80xi32, #tpu.memory_space<hbm>> -> memref<125x80xi32, #tpu.memory_space<hbm>>
      %dma_start3A_55 = arith.constant 0 : i32
      %dma_start3A_56 = arith.constant 0 : i32
      %dma_start3A_57 = tpu.memref_slice %arg2[%add3A, %dma_start3A_55, %dma_start3A_56] : memref<32x125x80xi32, #tpu.memory_space<hbm>> -> memref<1x125x80xi32, #tpu.memory_space<hbm>>
      %dma_start3A_58 = tpu.memref_squeeze %dma_start3A_57 : memref<1x125x80xi32, #tpu.memory_space<hbm>> -> memref<125x80xi32, #tpu.memory_space<hbm>>
      tpu.enqueue_dma source(%dma_start3A_58 : memref<125x80xi32, #tpu.memory_space<hbm>>) target(%arg4 : memref<125x80xi32, #tpu.memory_space<vmem>>) target_semaphore(%run_scoped3A : memref<!tpu.dma_semaphore, #tpu.memory_space<semaphore_mem>>)
      %dma_wait3A = arith.constant 0 : i32
      %dma_wait3A_59 = arith.constant 0 : i32
      %dma_wait3A_60 = tpu.memref_slice %arg2[%add3A, %dma_wait3A, %dma_wait3A_59] : memref<32x125x80xi32, #tpu.memory_space<hbm>> -> memref<1x125x80xi32, #tpu.memory_space<hbm>>
      %dma_wait3A_61 = tpu.memref_squeeze %dma_wait3A_60 : memref<1x125x80xi32, #tpu.memory_space<hbm>> -> memref<125x80xi32, #tpu.memory_space<hbm>>
      %dma_wait3A_62 = arith.constant 0 : i32
      %dma_wait3A_63 = arith.constant 0 : i32
      %dma_wait3A_64 = tpu.memref_slice %arg2[%add3A, %dma_wait3A_62, %dma_wait3A_63] : memref<32x125x80xi32, #tpu.memory_space<hbm>> -> memref<1x125x80xi32, #tpu.memory_space<hbm>>
      %dma_wait3A_65 = tpu.memref_squeeze %dma_wait3A_64 : memref<1x125x80xi32, #tpu.memory_space<hbm>> -> memref<125x80xi32, #tpu.memory_space<hbm>>
      tpu.wait_dma2 semaphore(%run_scoped3A : memref<!tpu.dma_semaphore, #tpu.memory_space<semaphore_mem>>) src(%dma_wait3A_65 : memref<125x80xi32, #tpu.memory_space<hbm>>) dst(%arg4 : memref<125x80xi32, #tpu.memory_space<vmem>>)
      tpu.yield
    }) : () -> ()
    %broadcast_in_dim3A = arith.constant 1.000000e+00 : f32
    %broadcast_in_dim3A_1 = vector.broadcast %broadcast_in_dim3A : f32 to vector<16xf32>
    %swap3A = arith.constant 0 : index
    %swap3A_2 = tpu.vector_load %arg5[%swap3A] {strides = array<i32>} : memref<80xf32, #tpu.memory_space<vmem>>, vector<16xf32>,
    %swap3A_3 = vector.shape_cast %swap3A_2 : vector<16xf32> to vector<16xf32>
    %swap3A_4 = vector.shape_cast %broadcast_in_dim3A_1 : vector<16xf32> to vector<16xf32>
    tpu.vector_store %arg5[%swap3A], %swap3A_4 {strides = array<i32>} : memref<80xf32, #tpu.memory_space<vmem>>, vector<16xf32>,
    %broadcast_in_dim3A_5 = arith.constant 1.000000e+00 : f32
    %broadcast_in_dim3A_6 = vector.broadcast %broadcast_in_dim3A_5 : f32 to vector<16xf32>
    %swap3A_7 = arith.constant 16 : index
    %swap3A_8 = tpu.vector_load %arg5[%swap3A_7] {strides = array<i32>} : memref<80xf32, #tpu.memory_space<vmem>>, vector<16xf32>,
    %swap3A_9 = vector.shape_cast %swap3A_8 : vector<16xf32> to vector<16xf32>
    %swap3A_10 = vector.shape_cast %broadcast_in_dim3A_6 : vector<16xf32> to vector<16xf32>
    tpu.vector_store %arg5[%swap3A_7], %swap3A_10 {strides = array<i32>} : memref<80xf32, #tpu.memory_space<vmem>>, vector<16xf32>,
    %broadcast_in_dim3A_11 = arith.constant 1.000000e+00 : f32
    %broadcast_in_dim3A_12 = vector.broadcast %broadcast_in_dim3A_11 : f32 to vector<16xf32>
    %swap3A_13 = arith.constant 32 : index
    %swap3A_14 = tpu.vector_load %arg5[%swap3A_13] {strides = array<i32>} : memref<80xf32, #tpu.memory_space<vmem>>, vector<16xf32>,
    %swap3A_15 = vector.shape_cast %swap3A_14 : vector<16xf32> to vector<16xf32>
    %swap3A_16 = vector.shape_cast %broadcast_in_dim3A_12 : vector<16xf32> to vector<16xf32>
    tpu.vector_store %arg5[%swap3A_13], %swap3A_16 {strides = array<i32>} : memref<80xf32, #tpu.memory_space<vmem>>, vector<16xf32>,
    %broadcast_in_dim3A_17 = arith.constant 1.000000e+00 : f32
    %broadcast_in_dim3A_18 = vector.broadcast %broadcast_in_dim3A_17 : f32 to vector<16xf32>
    %swap3A_19 = arith.constant 48 : index
    %swap3A_20 = tpu.vector_load %arg5[%swap3A_19] {strides = array<i32>} : memref<80xf32, #tpu.memory_space<vmem>>, vector<16xf32>,
    %swap3A_21 = vector.shape_cast %swap3A_20 : vector<16xf32> to vector<16xf32>
    %swap3A_22 = vector.shape_cast %broadcast_in_dim3A_18 : vector<16xf32> to vector<16xf32>
    tpu.vector_store %arg5[%swap3A_19], %swap3A_22 {strides = array<i32>} : memref<80xf32, #tpu.memory_space<vmem>>, vector<16xf32>,
    %broadcast_in_dim3A_23 = arith.constant 1.000000e+00 : f32
    %broadcast_in_dim3A_24 = vector.broadcast %broadcast_in_dim3A_23 : f32 to vector<16xf32>
    %swap3A_25 = arith.constant 64 : index
    %swap3A_26 = tpu.vector_load %arg5[%swap3A_25] {strides = array<i32>} : memref<80xf32, #tpu.memory_space<vmem>>, vector<16xf32>,
    %swap3A_27 = vector.shape_cast %swap3A_26 : vector<16xf32> to vector<16xf32>
    %swap3A_28 = vector.shape_cast %broadcast_in_dim3A_24 : vector<16xf32> to vector<16xf32>
    tpu.vector_store %arg5[%swap3A_25], %swap3A_28 {strides = array<i32>} : memref<80xf32, #tpu.memory_space<vmem>>, vector<16xf32>,
    %scan3A = arith.constant 0 : i32
    %scan3A_29 = arith.constant 0 : i32
    %scan3A_30 = arith.constant 40 : i32
    %scan3A_31 = arith.addi %scan3A_29, %scan3A_30 : i32
    %scan3A_32 = arith.constant 1 : i32
    %scan3A_33 = scf.for %scan3A_52 = %scan3A_29 to %scan3A_31 step %scan3A_32 iter_args(%scan3A_53 = %scan3A) -> (i32)  : i32 {
      %broadcast_in_dim3A_54 = arith.constant 0.000000e+00 : f32
      %broadcast_in_dim3A_55 = vector.broadcast %broadcast_in_dim3A_54 : f32 to vector<16xf32>
      %mul3A_56 = arith.constant 16 : i32
      %mul3A_57 = arith.muli %scan3A_52, %mul3A_56 : i32
      %swap3A_58 = arith.index_cast %mul3A_57 : i32 to index
      %swap3A_59 = tpu.vector_load %arg6[%swap3A_58] {strides = array<i32>} : memref<640xf32, #tpu.memory_space<vmem>>, vector<16xf32>,
      %swap3A_60 = vector.shape_cast %swap3A_59 : vector<16xf32> to vector<16xf32>
      %swap3A_61 = vector.shape_cast %broadcast_in_dim3A_55 : vector<16xf32> to vector<16xf32>
      tpu.vector_store %arg6[%swap3A_58], %swap3A_61 {strides = array<i32>} : memref<640xf32, #tpu.memory_space<vmem>>, vector<16xf32>,
      %scan3A_62 = arith.constant 0 : i32
      scf.yield %scan3A_62 : i32
    }
    %scan3A_34 = arith.constant 40 : i32
    %mul3A_35 = arith.constant 624 : i32
    %mul3A_36 = arith.muli %arg1, %mul3A_35 : i32
    "tpu.region"() ({
      %run_scoped3A = tpu.sem_alloc : memref<!tpu.dma_semaphore, #tpu.memory_space<semaphore_mem>>
      %dma_start3A = tpu.memref_slice %arg7[%mul3A_36] : memref<10000xf32, #tpu.memory_space<vmem_shared>> -> memref<640xf32, #tpu.memory_space<vmem_shared>>
      %dma_start3A_52 = tpu.memref_slice %arg7[%mul3A_36] : memref<10000xf32, #tpu.memory_space<vmem_shared>> -> memref<640xf32, #tpu.memory_space<vmem_shared>>
      tpu.enqueue_dma source(%arg6 : memref<640xf32, #tpu.memory_space<vmem>>) target(%dma_start3A_52 : memref<640xf32, #tpu.memory_space<vmem_shared>>) target_semaphore(%run_scoped3A : memref<!tpu.dma_semaphore, #tpu.memory_space<semaphore_mem>>)
      %dma_wait3A = tpu.memref_slice %arg7[%mul3A_36] : memref<10000xf32, #tpu.memory_space<vmem_shared>> -> memref<640xf32, #tpu.memory_space<vmem_shared>>
      %dma_wait3A_53 = tpu.memref_slice %arg7[%mul3A_36] : memref<10000xf32, #tpu.memory_space<vmem_shared>> -> memref<640xf32, #tpu.memory_space<vmem_shared>>
      tpu.wait_dma2 semaphore(%run_scoped3A : memref<!tpu.dma_semaphore, #tpu.memory_space<semaphore_mem>>) src(%arg6 : memref<640xf32, #tpu.memory_space<vmem>>) dst(%dma_wait3A_53 : memref<640xf32, #tpu.memory_space<vmem_shared>>)
      tpu.yield
    }) : () -> ()
    %barrier3A = arith.constant 0 : index
    tpu.barrier barrier_id(%barrier3A)
    %scan3A_37 = arith.constant 0 : i32
    %scan3A_38 = arith.constant 0 : i32
    %scan3A_39 = arith.constant 125 : i32
    %scan3A_40 = arith.addi %scan3A_38, %scan3A_39 : i32
    %scan3A_41 = arith.constant 1 : i32
    %scan3A_42 = scf.for %scan3A_52 = %scan3A_38 to %scan3A_40 step %scan3A_41 iter_args(%scan3A_53 = %scan3A_37) -> (i32)  : i32 {
      "tpu.region"() ({
        %run_scoped3A = tpu.sem_alloc : memref<!tpu.dma_semaphore, #tpu.memory_space<semaphore_mem>>
        %dma_start3A = arith.constant 0 : i32
        %dma_start3A_55 = tpu.memref_slice %arg4[%scan3A_52, %dma_start3A] : memref<125x80xi32, #tpu.memory_space<vmem>> -> memref<1x80xi32, #tpu.memory_space<vmem>>
        %dma_start3A_56 = tpu.memref_squeeze %dma_start3A_55 : memref<1x80xi32, #tpu.memory_space<vmem>> -> memref<80xi32, #tpu.memory_space<vmem>>
        %dma_start3A_57 = arith.constant 0 : i32
        %dma_start3A_58 = tpu.memref_slice %arg7[%dma_start3A_57] : memref<10000xf32, #tpu.memory_space<vmem_shared>> -> memref<10000xf32, #tpu.memory_space<vmem_shared>>
        tpu.enqueue_indirect_dma source(%arg5 : memref<80xf32, #tpu.memory_space<vmem>>) target(%dma_start3A_58 : memref<10000xf32, #tpu.memory_space<vmem_shared>>) offsets(%dma_start3A_56 : memref<80xi32, #tpu.memory_space<vmem>>) semaphore(%run_scoped3A : memref<!tpu.dma_semaphore, #tpu.memory_space<semaphore_mem>>) {add = true}
        %dma_wait3A = arith.constant 0 : i32
        %dma_wait3A_59 = tpu.memref_slice %arg4[%scan3A_52, %dma_wait3A] : memref<125x80xi32, #tpu.memory_space<vmem>> -> memref<1x80xi32, #tpu.memory_space<vmem>>
        %dma_wait3A_60 = tpu.memref_squeeze %dma_wait3A_59 : memref<1x80xi32, #tpu.memory_space<vmem>> -> memref<80xi32, #tpu.memory_space<vmem>>
        %dma_wait3A_61 = arith.constant 0 : i32
        %dma_wait3A_62 = tpu.memref_slice %arg7[%dma_wait3A_61] : memref<10000xf32, #tpu.memory_space<vmem_shared>> -> memref<10000xf32, #tpu.memory_space<vmem_shared>>
        tpu.wait_indirect_dma semaphore(%run_scoped3A : memref<!tpu.dma_semaphore, #tpu.memory_space<semaphore_mem>>) src(%arg5 : memref<80xf32, #tpu.memory_space<vmem>>) dst(%dma_wait3A_62 : memref<10000xf32, #tpu.memory_space<vmem_shared>>)
        tpu.yield
      }) : () -> ()
      %scan3A_54 = arith.constant 0 : i32
      scf.yield %scan3A_54 : i32
    }
    %scan3A_43 = arith.constant 125 : i32
    %barrier3A_44 = arith.constant 0 : index
    tpu.barrier barrier_id(%barrier3A_44)
    %mul3A_45 = arith.constant 624 : i32
    %mul3A_46 = arith.muli %arg1, %mul3A_45 : i32
    "tpu.region"() ({
      %run_scoped3A = tpu.sem_alloc : memref<!tpu.dma_semaphore, #tpu.memory_space<semaphore_mem>>
      %dma_start3A = tpu.memref_slice %arg7[%mul3A_46] : memref<10000xf32, #tpu.memory_space<vmem_shared>> -> memref<640xf32, #tpu.memory_space<vmem_shared>>
      %dma_start3A_52 = tpu.memref_slice %arg7[%mul3A_46] : memref<10000xf32, #tpu.memory_space<vmem_shared>> -> memref<640xf32, #tpu.memory_space<vmem_shared>>
      tpu.enqueue_dma source(%dma_start3A_52 : memref<640xf32, #tpu.memory_space<vmem_shared>>) target(%arg6 : memref<640xf32, #tpu.memory_space<vmem>>) target_semaphore(%run_scoped3A : memref<!tpu.dma_semaphore, #tpu.memory_space<semaphore_mem>>)
      %dma_wait3A = tpu.memref_slice %arg7[%mul3A_46] : memref<10000xf32, #tpu.memory_space<vmem_shared>> -> memref<640xf32, #tpu.memory_space<vmem_shared>>
      %dma_wait3A_53 = tpu.memref_slice %arg7[%mul3A_46] : memref<10000xf32, #tpu.memory_space<vmem_shared>> -> memref<640xf32, #tpu.memory_space<vmem_shared>>
      tpu.wait_dma2 semaphore(%run_scoped3A : memref<!tpu.dma_semaphore, #tpu.memory_space<semaphore_mem>>) src(%dma_wait3A_53 : memref<640xf32, #tpu.memory_space<vmem_shared>>) dst(%arg6 : memref<640xf32, #tpu.memory_space<vmem>>)
      tpu.yield
    }) : () -> ()
    %mul3A_47 = arith.constant 10000 : i32
    %mul3A_48 = arith.muli %arg0, %mul3A_47 : i32
    %mul3A_49 = arith.constant 624 : i32
    %mul3A_50 = arith.muli %arg1, %mul3A_49 : i32
    %add3A_51 = arith.addi %mul3A_48, %mul3A_50 : i32
    "tpu.region"() ({
      %run_scoped3A = tpu.sem_alloc : memref<!tpu.dma_semaphore, #tpu.memory_space<semaphore_mem>>
      %dma_start3A = tpu.memref_slice %arg3[%add3A_51] : memref<20000xf32, #tpu.memory_space<hbm>> -> memref<640xf32, #tpu.memory_space<hbm>>
      %dma_start3A_52 = tpu.memref_slice %arg3[%add3A_51] : memref<20000xf32, #tpu.memory_space<hbm>> -> memref<640xf32, #tpu.memory_space<hbm>>
      tpu.enqueue_dma source(%arg6 : memref<640xf32, #tpu.memory_space<vmem>>) target(%dma_start3A_52 : memref<640xf32, #tpu.memory_space<hbm>>) target_semaphore(%run_scoped3A : memref<!tpu.dma_semaphore, #tpu.memory_space<semaphore_mem>>)
      %dma_wait3A = tpu.memref_slice %arg3[%add3A_51] : memref<20000xf32, #tpu.memory_space<hbm>> -> memref<640xf32, #tpu.memory_space<hbm>>
      %dma_wait3A_53 = tpu.memref_slice %arg3[%add3A_51] : memref<20000xf32, #tpu.memory_space<hbm>> -> memref<640xf32, #tpu.memory_space<hbm>>
      tpu.wait_dma2 semaphore(%run_scoped3A : memref<!tpu.dma_semaphore, #tpu.memory_space<semaphore_mem>>) src(%arg6 : memref<640xf32, #tpu.memory_space<vmem>>) dst(%dma_wait3A_53 : memref<640xf32, #tpu.memory_space<hbm>>)
      tpu.yield
    }) : () -> ()
    return
  }
}

#map = affine_map<(d0, d1) -> (0, 0)>
#map1 = affine_map<(d0, d1) -> (0, 0, 0)>
module attributes {stable_mosaic.version = 14 : i64} {
  func.func @_sc_aggregate(%arg0: i32, %arg1: i32, %arg2: memref<20000x128xf32, #tpu.memory_space<hbm>>, %arg3: memref<480x8x125xi32, #tpu.memory_space<hbm>>, %arg4: memref<20000x128xf32, #tpu.memory_space<hbm>>, %arg5: memref<8x125xi32, #tpu.memory_space<vmem>>, %arg6: memref<8x125xi32, #tpu.memory_space<vmem>>, %arg7: memref<125x128xf32, #tpu.memory_space<vmem>>, %arg8: memref<125x128xf32, #tpu.memory_space<vmem>>, %arg9: memref<32x128xf32, #tpu.memory_space<vmem>>, %arg10: memref<10000x128xf32, #tpu.memory_space<vmem_shared>>, %arg11: memref<!tpu.dma_semaphore, #tpu.memory_space<semaphore_mem>>, %arg12: memref<!tpu.dma_semaphore, #tpu.memory_space<semaphore_mem>>) attributes {dimension_semantics = [#tpu.dimension_semantics<core_parallel>, #tpu.dimension_semantics<subcore_parallel>], iteration_bounds = array<i64: 2, 16>, scalar_prefetch = 0 : i64, scratch_operands = 8 : i64, tpu.core_type = #tpu.core_type<sc_vector_subcore>, window_params = [{transform_indices = #map}, {transform_indices = #map1}, {transform_indices = #map}]} {
    %scan3A = arith.constant 0 : i32
    %scan3A_0 = arith.constant 0 : i32
    %scan3A_1 = arith.constant 32 : i32
    %scan3A_2 = arith.addi %scan3A_0, %scan3A_1 : i32
    %scan3A_3 = arith.constant 1 : i32
    %scan3A_4 = scf.for %scan3A_28 = %scan3A_0 to %scan3A_2 step %scan3A_3 iter_args(%scan3A_29 = %scan3A) -> (i32)  : i32 {
      %broadcast_in_dim3A = arith.constant 0.000000e+00 : f32
      %broadcast_in_dim3A_30 = vector.broadcast %broadcast_in_dim3A : f32 to vector<16xf32>
      %swap3A = arith.index_cast %scan3A_28 : i32 to index
      %swap3A_31 = arith.constant 0 : index
      %swap3A_32 = tpu.vector_load %arg9[%swap3A, %swap3A_31] {strides = array<i32>} : memref<32x128xf32, #tpu.memory_space<vmem>>, vector<1x16xf32>,
      %swap3A_33 = vector.shape_cast %swap3A_32 : vector<1x16xf32> to vector<16xf32>
      %swap3A_34 = vector.shape_cast %broadcast_in_dim3A_30 : vector<16xf32> to vector<1x16xf32>
      tpu.vector_store %arg9[%swap3A, %swap3A_31], %swap3A_34 {strides = array<i32>} : memref<32x128xf32, #tpu.memory_space<vmem>>, vector<1x16xf32>,
      %broadcast_in_dim3A_35 = arith.constant 0.000000e+00 : f32
      %broadcast_in_dim3A_36 = vector.broadcast %broadcast_in_dim3A_35 : f32 to vector<16xf32>
      %swap3A_37 = arith.index_cast %scan3A_28 : i32 to index
      %swap3A_38 = arith.constant 16 : index
      %swap3A_39 = tpu.vector_load %arg9[%swap3A_37, %swap3A_38] {strides = array<i32>} : memref<32x128xf32, #tpu.memory_space<vmem>>, vector<1x16xf32>,
      %swap3A_40 = vector.shape_cast %swap3A_39 : vector<1x16xf32> to vector<16xf32>
      %swap3A_41 = vector.shape_cast %broadcast_in_dim3A_36 : vector<16xf32> to vector<1x16xf32>
      tpu.vector_store %arg9[%swap3A_37, %swap3A_38], %swap3A_41 {strides = array<i32>} : memref<32x128xf32, #tpu.memory_space<vmem>>, vector<1x16xf32>,
      %broadcast_in_dim3A_42 = arith.constant 0.000000e+00 : f32
      %broadcast_in_dim3A_43 = vector.broadcast %broadcast_in_dim3A_42 : f32 to vector<16xf32>
      %swap3A_44 = arith.index_cast %scan3A_28 : i32 to index
      %swap3A_45 = arith.constant 32 : index
      %swap3A_46 = tpu.vector_load %arg9[%swap3A_44, %swap3A_45] {strides = array<i32>} : memref<32x128xf32, #tpu.memory_space<vmem>>, vector<1x16xf32>,
      %swap3A_47 = vector.shape_cast %swap3A_46 : vector<1x16xf32> to vector<16xf32>
      %swap3A_48 = vector.shape_cast %broadcast_in_dim3A_43 : vector<16xf32> to vector<1x16xf32>
      tpu.vector_store %arg9[%swap3A_44, %swap3A_45], %swap3A_48 {strides = array<i32>} : memref<32x128xf32, #tpu.memory_space<vmem>>, vector<1x16xf32>,
      %broadcast_in_dim3A_49 = arith.constant 0.000000e+00 : f32
      %broadcast_in_dim3A_50 = vector.broadcast %broadcast_in_dim3A_49 : f32 to vector<16xf32>
      %swap3A_51 = arith.index_cast %scan3A_28 : i32 to index
      %swap3A_52 = arith.constant 48 : index
      %swap3A_53 = tpu.vector_load %arg9[%swap3A_51, %swap3A_52] {strides = array<i32>} : memref<32x128xf32, #tpu.memory_space<vmem>>, vector<1x16xf32>,
      %swap3A_54 = vector.shape_cast %swap3A_53 : vector<1x16xf32> to vector<16xf32>
      %swap3A_55 = vector.shape_cast %broadcast_in_dim3A_50 : vector<16xf32> to vector<1x16xf32>
      tpu.vector_store %arg9[%swap3A_51, %swap3A_52], %swap3A_55 {strides = array<i32>} : memref<32x128xf32, #tpu.memory_space<vmem>>, vector<1x16xf32>,
      %broadcast_in_dim3A_56 = arith.constant 0.000000e+00 : f32
      %broadcast_in_dim3A_57 = vector.broadcast %broadcast_in_dim3A_56 : f32 to vector<16xf32>
      %swap3A_58 = arith.index_cast %scan3A_28 : i32 to index
      %swap3A_59 = arith.constant 64 : index
      %swap3A_60 = tpu.vector_load %arg9[%swap3A_58, %swap3A_59] {strides = array<i32>} : memref<32x128xf32, #tpu.memory_space<vmem>>, vector<1x16xf32>,
      %swap3A_61 = vector.shape_cast %swap3A_60 : vector<1x16xf32> to vector<16xf32>
      %swap3A_62 = vector.shape_cast %broadcast_in_dim3A_57 : vector<16xf32> to vector<1x16xf32>
      tpu.vector_store %arg9[%swap3A_58, %swap3A_59], %swap3A_62 {strides = array<i32>} : memref<32x128xf32, #tpu.memory_space<vmem>>, vector<1x16xf32>,
      %broadcast_in_dim3A_63 = arith.constant 0.000000e+00 : f32
      %broadcast_in_dim3A_64 = vector.broadcast %broadcast_in_dim3A_63 : f32 to vector<16xf32>
      %swap3A_65 = arith.index_cast %scan3A_28 : i32 to index
      %swap3A_66 = arith.constant 80 : index
      %swap3A_67 = tpu.vector_load %arg9[%swap3A_65, %swap3A_66] {strides = array<i32>} : memref<32x128xf32, #tpu.memory_space<vmem>>, vector<1x16xf32>,
      %swap3A_68 = vector.shape_cast %swap3A_67 : vector<1x16xf32> to vector<16xf32>
      %swap3A_69 = vector.shape_cast %broadcast_in_dim3A_64 : vector<16xf32> to vector<1x16xf32>
      tpu.vector_store %arg9[%swap3A_65, %swap3A_66], %swap3A_69 {strides = array<i32>} : memref<32x128xf32, #tpu.memory_space<vmem>>, vector<1x16xf32>,
      %broadcast_in_dim3A_70 = arith.constant 0.000000e+00 : f32
      %broadcast_in_dim3A_71 = vector.broadcast %broadcast_in_dim3A_70 : f32 to vector<16xf32>
      %swap3A_72 = arith.index_cast %scan3A_28 : i32 to index
      %swap3A_73 = arith.constant 96 : index
      %swap3A_74 = tpu.vector_load %arg9[%swap3A_72, %swap3A_73] {strides = array<i32>} : memref<32x128xf32, #tpu.memory_space<vmem>>, vector<1x16xf32>,
      %swap3A_75 = vector.shape_cast %swap3A_74 : vector<1x16xf32> to vector<16xf32>
      %swap3A_76 = vector.shape_cast %broadcast_in_dim3A_71 : vector<16xf32> to vector<1x16xf32>
      tpu.vector_store %arg9[%swap3A_72, %swap3A_73], %swap3A_76 {strides = array<i32>} : memref<32x128xf32, #tpu.memory_space<vmem>>, vector<1x16xf32>,
      %broadcast_in_dim3A_77 = arith.constant 0.000000e+00 : f32
      %broadcast_in_dim3A_78 = vector.broadcast %broadcast_in_dim3A_77 : f32 to vector<16xf32>
      %swap3A_79 = arith.index_cast %scan3A_28 : i32 to index
      %swap3A_80 = arith.constant 112 : index
      %swap3A_81 = tpu.vector_load %arg9[%swap3A_79, %swap3A_80] {strides = array<i32>} : memref<32x128xf32, #tpu.memory_space<vmem>>, vector<1x16xf32>,
      %swap3A_82 = vector.shape_cast %swap3A_81 : vector<1x16xf32> to vector<16xf32>
      %swap3A_83 = vector.shape_cast %broadcast_in_dim3A_78 : vector<16xf32> to vector<1x16xf32>
      tpu.vector_store %arg9[%swap3A_79, %swap3A_80], %swap3A_83 {strides = array<i32>} : memref<32x128xf32, #tpu.memory_space<vmem>>, vector<1x16xf32>,
      %scan3A_84 = arith.constant 0 : i32
      scf.yield %scan3A_84 : i32
    }
    %scan3A_5 = arith.constant 32 : i32
    %scan3A_6 = arith.constant 0 : i32
    %scan3A_7 = arith.constant 0 : i32
    %scan3A_8 = arith.constant 20 : i32
    %scan3A_9 = arith.addi %scan3A_7, %scan3A_8 : i32
    %scan3A_10 = arith.constant 1 : i32
    %scan3A_11 = scf.for %scan3A_28 = %scan3A_7 to %scan3A_9 step %scan3A_10 iter_args(%scan3A_29 = %scan3A_6) -> (i32)  : i32 {
      %mul3A = arith.constant 624 : i32
      %mul3A_30 = arith.muli %arg1, %mul3A : i32
      %mul3A_31 = arith.constant 32 : i32
      %mul3A_32 = arith.muli %scan3A_28, %mul3A_31 : i32
      %add3A = arith.addi %mul3A_30, %mul3A_32 : i32
      "tpu.region"() ({
        %run_scoped3A = tpu.sem_alloc : memref<!tpu.dma_semaphore, #tpu.memory_space<semaphore_mem>>
        %dma_start3A = arith.constant 0 : i32
        %dma_start3A_34 = tpu.memref_slice %arg10[%add3A, %dma_start3A] : memref<10000x128xf32, #tpu.memory_space<vmem_shared>> -> memref<32x128xf32, #tpu.memory_space<vmem_shared>>
        %dma_start3A_35 = arith.constant 0 : i32
        %dma_start3A_36 = tpu.memref_slice %arg10[%add3A, %dma_start3A_35] : memref<10000x128xf32, #tpu.memory_space<vmem_shared>> -> memref<32x128xf32, #tpu.memory_space<vmem_shared>>
        tpu.enqueue_dma source(%arg9 : memref<32x128xf32, #tpu.memory_space<vmem>>) target(%dma_start3A_36 : memref<32x128xf32, #tpu.memory_space<vmem_shared>>) target_semaphore(%run_scoped3A : memref<!tpu.dma_semaphore, #tpu.memory_space<semaphore_mem>>)
        %dma_wait3A = arith.constant 0 : i32
        %dma_wait3A_37 = tpu.memref_slice %arg10[%add3A, %dma_wait3A] : memref<10000x128xf32, #tpu.memory_space<vmem_shared>> -> memref<32x128xf32, #tpu.memory_space<vmem_shared>>
        %dma_wait3A_38 = arith.constant 0 : i32
        %dma_wait3A_39 = tpu.memref_slice %arg10[%add3A, %dma_wait3A_38] : memref<10000x128xf32, #tpu.memory_space<vmem_shared>> -> memref<32x128xf32, #tpu.memory_space<vmem_shared>>
        tpu.wait_dma2 semaphore(%run_scoped3A : memref<!tpu.dma_semaphore, #tpu.memory_space<semaphore_mem>>) src(%arg9 : memref<32x128xf32, #tpu.memory_space<vmem>>) dst(%dma_wait3A_39 : memref<32x128xf32, #tpu.memory_space<vmem_shared>>)
        tpu.yield
      }) : () -> ()
      %scan3A_33 = arith.constant 0 : i32
      scf.yield %scan3A_33 : i32
    }
    %scan3A_12 = arith.constant 20 : i32
    %barrier3A = arith.constant 0 : index
    tpu.barrier barrier_id(%barrier3A)
    %scan3A_13 = arith.constant 0 : i32
    %scan3A_14 = arith.constant 0 : i32
    %scan3A_15 = arith.constant 10 : i32
    %scan3A_16 = arith.addi %scan3A_14, %scan3A_15 : i32
    %scan3A_17 = arith.constant 1 : i32
    %scan3A_18 = scf.for %scan3A_28 = %scan3A_14 to %scan3A_16 step %scan3A_17 iter_args(%scan3A_29 = %scan3A_13) -> (i32)  : i32 {
      %mul3A = arith.constant 2 : i32
      %mul3A_30 = arith.muli %arg0, %mul3A : i32
      %mul3A_31 = arith.constant 16 : i32
      %mul3A_32 = arith.muli %mul3A_30, %mul3A_31 : i32
      %add3A = arith.addi %mul3A_32, %arg1 : i32
      %mul3A_33 = arith.constant 10 : i32
      %mul3A_34 = arith.muli %add3A, %mul3A_33 : i32
      %add3A_35 = arith.addi %mul3A_34, %scan3A_28 : i32
      "tpu.region"() ({
        %run_scoped3A_76 = tpu.sem_alloc : memref<!tpu.dma_semaphore, #tpu.memory_space<semaphore_mem>>
        %dma_start3A_77 = arith.constant 0 : i32
        %dma_start3A_78 = arith.constant 0 : i32
        %dma_start3A_79 = tpu.memref_slice %arg3[%add3A_35, %dma_start3A_77, %dma_start3A_78] : memref<480x8x125xi32, #tpu.memory_space<hbm>> -> memref<1x8x125xi32, #tpu.memory_space<hbm>>
        %dma_start3A_80 = tpu.memref_squeeze %dma_start3A_79 : memref<1x8x125xi32, #tpu.memory_space<hbm>> -> memref<8x125xi32, #tpu.memory_space<hbm>>
        %dma_start3A_81 = arith.constant 0 : i32
        %dma_start3A_82 = arith.constant 0 : i32
        %dma_start3A_83 = tpu.memref_slice %arg3[%add3A_35, %dma_start3A_81, %dma_start3A_82] : memref<480x8x125xi32, #tpu.memory_space<hbm>> -> memref<1x8x125xi32, #tpu.memory_space<hbm>>
        %dma_start3A_84 = tpu.memref_squeeze %dma_start3A_83 : memref<1x8x125xi32, #tpu.memory_space<hbm>> -> memref<8x125xi32, #tpu.memory_space<hbm>>
        tpu.enqueue_dma source(%dma_start3A_84 : memref<8x125xi32, #tpu.memory_space<hbm>>) target(%arg5 : memref<8x125xi32, #tpu.memory_space<vmem>>) target_semaphore(%run_scoped3A_76 : memref<!tpu.dma_semaphore, #tpu.memory_space<semaphore_mem>>)
        %dma_wait3A_85 = arith.constant 0 : i32
        %dma_wait3A_86 = arith.constant 0 : i32
        %dma_wait3A_87 = tpu.memref_slice %arg3[%add3A_35, %dma_wait3A_85, %dma_wait3A_86] : memref<480x8x125xi32, #tpu.memory_space<hbm>> -> memref<1x8x125xi32, #tpu.memory_space<hbm>>
        %dma_wait3A_88 = tpu.memref_squeeze %dma_wait3A_87 : memref<1x8x125xi32, #tpu.memory_space<hbm>> -> memref<8x125xi32, #tpu.memory_space<hbm>>
        %dma_wait3A_89 = arith.constant 0 : i32
        %dma_wait3A_90 = arith.constant 0 : i32
        %dma_wait3A_91 = tpu.memref_slice %arg3[%add3A_35, %dma_wait3A_89, %dma_wait3A_90] : memref<480x8x125xi32, #tpu.memory_space<hbm>> -> memref<1x8x125xi32, #tpu.memory_space<hbm>>
        %dma_wait3A_92 = tpu.memref_squeeze %dma_wait3A_91 : memref<1x8x125xi32, #tpu.memory_space<hbm>> -> memref<8x125xi32, #tpu.memory_space<hbm>>
        tpu.wait_dma2 semaphore(%run_scoped3A_76 : memref<!tpu.dma_semaphore, #tpu.memory_space<semaphore_mem>>) src(%dma_wait3A_92 : memref<8x125xi32, #tpu.memory_space<hbm>>) dst(%arg5 : memref<8x125xi32, #tpu.memory_space<vmem>>)
        tpu.yield
      }) : () -> ()
      %add3A_36 = arith.constant 16 : i32
      %add3A_37 = arith.addi %add3A_36, %arg1 : i32
      %mul3A_38 = arith.constant 10 : i32
      %mul3A_39 = arith.muli %add3A_37, %mul3A_38 : i32
      %add3A_40 = arith.addi %mul3A_39, %scan3A_28 : i32
      "tpu.region"() ({
        %run_scoped3A_76 = tpu.sem_alloc : memref<!tpu.dma_semaphore, #tpu.memory_space<semaphore_mem>>
        %dma_start3A_77 = arith.constant 0 : i32
        %dma_start3A_78 = arith.constant 0 : i32
        %dma_start3A_79 = tpu.memref_slice %arg3[%add3A_40, %dma_start3A_77, %dma_start3A_78] : memref<480x8x125xi32, #tpu.memory_space<hbm>> -> memref<1x8x125xi32, #tpu.memory_space<hbm>>
        %dma_start3A_80 = tpu.memref_squeeze %dma_start3A_79 : memref<1x8x125xi32, #tpu.memory_space<hbm>> -> memref<8x125xi32, #tpu.memory_space<hbm>>
        %dma_start3A_81 = arith.constant 0 : i32
        %dma_start3A_82 = arith.constant 0 : i32
        %dma_start3A_83 = tpu.memref_slice %arg3[%add3A_40, %dma_start3A_81, %dma_start3A_82] : memref<480x8x125xi32, #tpu.memory_space<hbm>> -> memref<1x8x125xi32, #tpu.memory_space<hbm>>
        %dma_start3A_84 = tpu.memref_squeeze %dma_start3A_83 : memref<1x8x125xi32, #tpu.memory_space<hbm>> -> memref<8x125xi32, #tpu.memory_space<hbm>>
        tpu.enqueue_dma source(%dma_start3A_84 : memref<8x125xi32, #tpu.memory_space<hbm>>) target(%arg6 : memref<8x125xi32, #tpu.memory_space<vmem>>) target_semaphore(%run_scoped3A_76 : memref<!tpu.dma_semaphore, #tpu.memory_space<semaphore_mem>>)
        %dma_wait3A_85 = arith.constant 0 : i32
        %dma_wait3A_86 = arith.constant 0 : i32
        %dma_wait3A_87 = tpu.memref_slice %arg3[%add3A_40, %dma_wait3A_85, %dma_wait3A_86] : memref<480x8x125xi32, #tpu.memory_space<hbm>> -> memref<1x8x125xi32, #tpu.memory_space<hbm>>
        %dma_wait3A_88 = tpu.memref_squeeze %dma_wait3A_87 : memref<1x8x125xi32, #tpu.memory_space<hbm>> -> memref<8x125xi32, #tpu.memory_space<hbm>>
        %dma_wait3A_89 = arith.constant 0 : i32
        %dma_wait3A_90 = arith.constant 0 : i32
        %dma_wait3A_91 = tpu.memref_slice %arg3[%add3A_40, %dma_wait3A_89, %dma_wait3A_90] : memref<480x8x125xi32, #tpu.memory_space<hbm>> -> memref<1x8x125xi32, #tpu.memory_space<hbm>>
        %dma_wait3A_92 = tpu.memref_squeeze %dma_wait3A_91 : memref<1x8x125xi32, #tpu.memory_space<hbm>> -> memref<8x125xi32, #tpu.memory_space<hbm>>
        tpu.wait_dma2 semaphore(%run_scoped3A_76 : memref<!tpu.dma_semaphore, #tpu.memory_space<semaphore_mem>>) src(%dma_wait3A_92 : memref<8x125xi32, #tpu.memory_space<hbm>>) dst(%arg6 : memref<8x125xi32, #tpu.memory_space<vmem>>)
        tpu.yield
      }) : () -> ()
      %dma_start3A = arith.constant 0 : i32
      %dma_start3A_41 = arith.constant 0 : i32
      %dma_start3A_42 = tpu.memref_slice %arg5[%dma_start3A, %dma_start3A_41] : memref<8x125xi32, #tpu.memory_space<vmem>> -> memref<1x125xi32, #tpu.memory_space<vmem>>
      %dma_start3A_43 = tpu.memref_squeeze %dma_start3A_42 : memref<1x125xi32, #tpu.memory_space<vmem>> -> memref<125xi32, #tpu.memory_space<vmem>>
      %dma_start3A_44 = arith.constant 0 : i32
      %dma_start3A_45 = arith.constant 0 : i32
      %dma_start3A_46 = tpu.memref_slice %arg2[%dma_start3A_44, %dma_start3A_45] : memref<20000x128xf32, #tpu.memory_space<hbm>> -> memref<20000x128xf32, #tpu.memory_space<hbm>>
      tpu.enqueue_indirect_dma source(%dma_start3A_46 : memref<20000x128xf32, #tpu.memory_space<hbm>>) target(%arg7 : memref<125x128xf32, #tpu.memory_space<vmem>>) offsets(%dma_start3A_43 : memref<125xi32, #tpu.memory_space<vmem>>) semaphore(%arg11 : memref<!tpu.dma_semaphore, #tpu.memory_space<semaphore_mem>>)
      %dma_start3A_47 = arith.constant 1 : i32
      %dma_start3A_48 = arith.constant 0 : i32
      %dma_start3A_49 = tpu.memref_slice %arg5[%dma_start3A_47, %dma_start3A_48] : memref<8x125xi32, #tpu.memory_space<vmem>> -> memref<1x125xi32, #tpu.memory_space<vmem>>
      %dma_start3A_50 = tpu.memref_squeeze %dma_start3A_49 : memref<1x125xi32, #tpu.memory_space<vmem>> -> memref<125xi32, #tpu.memory_space<vmem>>
      %dma_start3A_51 = arith.constant 0 : i32
      %dma_start3A_52 = arith.constant 0 : i32
      %dma_start3A_53 = tpu.memref_slice %arg2[%dma_start3A_51, %dma_start3A_52] : memref<20000x128xf32, #tpu.memory_space<hbm>> -> memref<20000x128xf32, #tpu.memory_space<hbm>>
      tpu.enqueue_indirect_dma source(%dma_start3A_53 : memref<20000x128xf32, #tpu.memory_space<hbm>>) target(%arg8 : memref<125x128xf32, #tpu.memory_space<vmem>>) offsets(%dma_start3A_50 : memref<125xi32, #tpu.memory_space<vmem>>) semaphore(%arg12 : memref<!tpu.dma_semaphore, #tpu.memory_space<semaphore_mem>>)
      %scan3A_54 = arith.constant 0 : i32
      %scan3A_55 = arith.constant 0 : i32
      %scan3A_56 = arith.constant 3 : i32
      %scan3A_57 = arith.addi %scan3A_55, %scan3A_56 : i32
      %scan3A_58 = arith.constant 1 : i32
      %scan3A_59 = scf.for %scan3A_76 = %scan3A_55 to %scan3A_57 step %scan3A_58 iter_args(%scan3A_77 = %scan3A_54) -> (i32)  : i32 {
        %mul3A_78 = arith.constant 2 : i32
        %mul3A_79 = arith.muli %mul3A_78, %scan3A_76 : i32
        %dma_wait3A_80 = arith.constant 0 : i32
        %dma_wait3A_81 = tpu.memref_slice %arg5[%mul3A_79, %dma_wait3A_80] : memref<8x125xi32, #tpu.memory_space<vmem>> -> memref<1x125xi32, #tpu.memory_space<vmem>>
        %dma_wait3A_82 = tpu.memref_squeeze %dma_wait3A_81 : memref<1x125xi32, #tpu.memory_space<vmem>> -> memref<125xi32, #tpu.memory_space<vmem>>
        %dma_wait3A_83 = arith.constant 0 : i32
        %dma_wait3A_84 = arith.constant 0 : i32
        %dma_wait3A_85 = tpu.memref_slice %arg2[%dma_wait3A_83, %dma_wait3A_84] : memref<20000x128xf32, #tpu.memory_space<hbm>> -> memref<20000x128xf32, #tpu.memory_space<hbm>>
        tpu.wait_indirect_dma semaphore(%arg11 : memref<!tpu.dma_semaphore, #tpu.memory_space<semaphore_mem>>) src(%dma_wait3A_85 : memref<20000x128xf32, #tpu.memory_space<hbm>>) dst(%arg7 : memref<125x128xf32, #tpu.memory_space<vmem>>)
        %mul3A_86 = arith.constant 2 : i32
        %mul3A_87 = arith.muli %mul3A_86, %scan3A_76 : i32
        "tpu.region"() ({
          %run_scoped3A_123 = tpu.sem_alloc : memref<!tpu.dma_semaphore, #tpu.memory_space<semaphore_mem>>
          %dma_start3A_124 = arith.constant 0 : i32
          %dma_start3A_125 = tpu.memref_slice %arg6[%mul3A_87, %dma_start3A_124] : memref<8x125xi32, #tpu.memory_space<vmem>> -> memref<1x125xi32, #tpu.memory_space<vmem>>
          %dma_start3A_126 = tpu.memref_squeeze %dma_start3A_125 : memref<1x125xi32, #tpu.memory_space<vmem>> -> memref<125xi32, #tpu.memory_space<vmem>>
          %dma_start3A_127 = arith.constant 0 : i32
          %dma_start3A_128 = arith.constant 0 : i32
          %dma_start3A_129 = tpu.memref_slice %arg10[%dma_start3A_127, %dma_start3A_128] : memref<10000x128xf32, #tpu.memory_space<vmem_shared>> -> memref<10000x128xf32, #tpu.memory_space<vmem_shared>>
          tpu.enqueue_indirect_dma source(%arg7 : memref<125x128xf32, #tpu.memory_space<vmem>>) target(%dma_start3A_129 : memref<10000x128xf32, #tpu.memory_space<vmem_shared>>) offsets(%dma_start3A_126 : memref<125xi32, #tpu.memory_space<vmem>>) semaphore(%run_scoped3A_123 : memref<!tpu.dma_semaphore, #tpu.memory_space<semaphore_mem>>) {add = true}
          %dma_wait3A_130 = arith.constant 0 : i32
          %dma_wait3A_131 = tpu.memref_slice %arg6[%mul3A_87, %dma_wait3A_130] : memref<8x125xi32, #tpu.memory_space<vmem>> -> memref<1x125xi32, #tpu.memory_space<vmem>>
          %dma_wait3A_132 = tpu.memref_squeeze %dma_wait3A_131 : memref<1x125xi32, #tpu.memory_space<vmem>> -> memref<125xi32, #tpu.memory_space<vmem>>
          %dma_wait3A_133 = arith.constant 0 : i32
          %dma_wait3A_134 = arith.constant 0 : i32
          %dma_wait3A_135 = tpu.memref_slice %arg10[%dma_wait3A_133, %dma_wait3A_134] : memref<10000x128xf32, #tpu.memory_space<vmem_shared>> -> memref<10000x128xf32, #tpu.memory_space<vmem_shared>>
          tpu.wait_indirect_dma semaphore(%run_scoped3A_123 : memref<!tpu.dma_semaphore, #tpu.memory_space<semaphore_mem>>) src(%arg7 : memref<125x128xf32, #tpu.memory_space<vmem>>) dst(%dma_wait3A_135 : memref<10000x128xf32, #tpu.memory_space<vmem_shared>>)
          tpu.yield
        }) : () -> ()
        %mul3A_88 = arith.constant 2 : i32
        %mul3A_89 = arith.muli %mul3A_88, %scan3A_76 : i32
        %add3A_90 = arith.constant 2 : i32
        %add3A_91 = arith.addi %mul3A_89, %add3A_90 : i32
        %dma_start3A_92 = arith.constant 0 : i32
        %dma_start3A_93 = tpu.memref_slice %arg5[%add3A_91, %dma_start3A_92] : memref<8x125xi32, #tpu.memory_space<vmem>> -> memref<1x125xi32, #tpu.memory_space<vmem>>
        %dma_start3A_94 = tpu.memref_squeeze %dma_start3A_93 : memref<1x125xi32, #tpu.memory_space<vmem>> -> memref<125xi32, #tpu.memory_space<vmem>>
        %dma_start3A_95 = arith.constant 0 : i32
        %dma_start3A_96 = arith.constant 0 : i32
        %dma_start3A_97 = tpu.memref_slice %arg2[%dma_start3A_95, %dma_start3A_96] : memref<20000x128xf32, #tpu.memory_space<hbm>> -> memref<20000x128xf32, #tpu.memory_space<hbm>>
        tpu.enqueue_indirect_dma source(%dma_start3A_97 : memref<20000x128xf32, #tpu.memory_space<hbm>>) target(%arg7 : memref<125x128xf32, #tpu.memory_space<vmem>>) offsets(%dma_start3A_94 : memref<125xi32, #tpu.memory_space<vmem>>) semaphore(%arg11 : memref<!tpu.dma_semaphore, #tpu.memory_space<semaphore_mem>>)
        %mul3A_98 = arith.constant 2 : i32
        %mul3A_99 = arith.muli %mul3A_98, %scan3A_76 : i32
        %add3A_100 = arith.constant 1 : i32
        %add3A_101 = arith.addi %mul3A_99, %add3A_100 : i32
        %dma_wait3A_102 = arith.constant 0 : i32
        %dma_wait3A_103 = tpu.memref_slice %arg5[%add3A_101, %dma_wait3A_102] : memref<8x125xi32, #tpu.memory_space<vmem>> -> memref<1x125xi32, #tpu.memory_space<vmem>>
        %dma_wait3A_104 = tpu.memref_squeeze %dma_wait3A_103 : memref<1x125xi32, #tpu.memory_space<vmem>> -> memref<125xi32, #tpu.memory_space<vmem>>
        %dma_wait3A_105 = arith.constant 0 : i32
        %dma_wait3A_106 = arith.constant 0 : i32
        %dma_wait3A_107 = tpu.memref_slice %arg2[%dma_wait3A_105, %dma_wait3A_106] : memref<20000x128xf32, #tpu.memory_space<hbm>> -> memref<20000x128xf32, #tpu.memory_space<hbm>>
        tpu.wait_indirect_dma semaphore(%arg12 : memref<!tpu.dma_semaphore, #tpu.memory_space<semaphore_mem>>) src(%dma_wait3A_107 : memref<20000x128xf32, #tpu.memory_space<hbm>>) dst(%arg8 : memref<125x128xf32, #tpu.memory_space<vmem>>)
        %mul3A_108 = arith.constant 2 : i32
        %mul3A_109 = arith.muli %mul3A_108, %scan3A_76 : i32
        %add3A_110 = arith.constant 1 : i32
        %add3A_111 = arith.addi %mul3A_109, %add3A_110 : i32
        "tpu.region"() ({
          %run_scoped3A_123 = tpu.sem_alloc : memref<!tpu.dma_semaphore, #tpu.memory_space<semaphore_mem>>
          %dma_start3A_124 = arith.constant 0 : i32
          %dma_start3A_125 = tpu.memref_slice %arg6[%add3A_111, %dma_start3A_124] : memref<8x125xi32, #tpu.memory_space<vmem>> -> memref<1x125xi32, #tpu.memory_space<vmem>>
          %dma_start3A_126 = tpu.memref_squeeze %dma_start3A_125 : memref<1x125xi32, #tpu.memory_space<vmem>> -> memref<125xi32, #tpu.memory_space<vmem>>
          %dma_start3A_127 = arith.constant 0 : i32
          %dma_start3A_128 = arith.constant 0 : i32
          %dma_start3A_129 = tpu.memref_slice %arg10[%dma_start3A_127, %dma_start3A_128] : memref<10000x128xf32, #tpu.memory_space<vmem_shared>> -> memref<10000x128xf32, #tpu.memory_space<vmem_shared>>
          tpu.enqueue_indirect_dma source(%arg8 : memref<125x128xf32, #tpu.memory_space<vmem>>) target(%dma_start3A_129 : memref<10000x128xf32, #tpu.memory_space<vmem_shared>>) offsets(%dma_start3A_126 : memref<125xi32, #tpu.memory_space<vmem>>) semaphore(%run_scoped3A_123 : memref<!tpu.dma_semaphore, #tpu.memory_space<semaphore_mem>>) {add = true}
          %dma_wait3A_130 = arith.constant 0 : i32
          %dma_wait3A_131 = tpu.memref_slice %arg6[%add3A_111, %dma_wait3A_130] : memref<8x125xi32, #tpu.memory_space<vmem>> -> memref<1x125xi32, #tpu.memory_space<vmem>>
          %dma_wait3A_132 = tpu.memref_squeeze %dma_wait3A_131 : memref<1x125xi32, #tpu.memory_space<vmem>> -> memref<125xi32, #tpu.memory_space<vmem>>
          %dma_wait3A_133 = arith.constant 0 : i32
          %dma_wait3A_134 = arith.constant 0 : i32
          %dma_wait3A_135 = tpu.memref_slice %arg10[%dma_wait3A_133, %dma_wait3A_134] : memref<10000x128xf32, #tpu.memory_space<vmem_shared>> -> memref<10000x128xf32, #tpu.memory_space<vmem_shared>>
          tpu.wait_indirect_dma semaphore(%run_scoped3A_123 : memref<!tpu.dma_semaphore, #tpu.memory_space<semaphore_mem>>) src(%arg8 : memref<125x128xf32, #tpu.memory_space<vmem>>) dst(%dma_wait3A_135 : memref<10000x128xf32, #tpu.memory_space<vmem_shared>>)
          tpu.yield
        }) : () -> ()
        %mul3A_112 = arith.constant 2 : i32
        %mul3A_113 = arith.muli %mul3A_112, %scan3A_76 : i32
        %add3A_114 = arith.constant 3 : i32
        %add3A_115 = arith.addi %mul3A_113, %add3A_114 : i32
        %dma_start3A_116 = arith.constant 0 : i32
        %dma_start3A_117 = tpu.memref_slice %arg5[%add3A_115, %dma_start3A_116] : memref<8x125xi32, #tpu.memory_space<vmem>> -> memref<1x125xi32, #tpu.memory_space<vmem>>
        %dma_start3A_118 = tpu.memref_squeeze %dma_start3A_117 : memref<1x125xi32, #tpu.memory_space<vmem>> -> memref<125xi32, #tpu.memory_space<vmem>>
        %dma_start3A_119 = arith.constant 0 : i32
        %dma_start3A_120 = arith.constant 0 : i32
        %dma_start3A_121 = tpu.memref_slice %arg2[%dma_start3A_119, %dma_start3A_120] : memref<20000x128xf32, #tpu.memory_space<hbm>> -> memref<20000x128xf32, #tpu.memory_space<hbm>>
        tpu.enqueue_indirect_dma source(%dma_start3A_121 : memref<20000x128xf32, #tpu.memory_space<hbm>>) target(%arg8 : memref<125x128xf32, #tpu.memory_space<vmem>>) offsets(%dma_start3A_118 : memref<125xi32, #tpu.memory_space<vmem>>) semaphore(%arg12 : memref<!tpu.dma_semaphore, #tpu.memory_space<semaphore_mem>>)
        %scan3A_122 = arith.constant 0 : i32
        scf.yield %scan3A_122 : i32
      }
      %scan3A_60 = arith.constant 3 : i32
      %dma_wait3A = arith.constant 6 : i32
      %dma_wait3A_61 = arith.constant 0 : i32
      %dma_wait3A_62 = tpu.memref_slice %arg5[%dma_wait3A, %dma_wait3A_61] : memref<8x125xi32, #tpu.memory_space<vmem>> -> memref<1x125xi32, #tpu.memory_space<vmem>>
      %dma_wait3A_63 = tpu.memref_squeeze %dma_wait3A_62 : memref<1x125xi32, #tpu.memory_space<vmem>> -> memref<125xi32, #tpu.memory_space<vmem>>
      %dma_wait3A_64 = arith.constant 0 : i32
      %dma_wait3A_65 = arith.constant 0 : i32
      %dma_wait3A_66 = tpu.memref_slice %arg2[%dma_wait3A_64, %dma_wait3A_65] : memref<20000x128xf32, #tpu.memory_space<hbm>> -> memref<20000x128xf32, #tpu.memory_space<hbm>>
      tpu.wait_indirect_dma semaphore(%arg11 : memref<!tpu.dma_semaphore, #tpu.memory_space<semaphore_mem>>) src(%dma_wait3A_66 : memref<20000x128xf32, #tpu.memory_space<hbm>>) dst(%arg7 : memref<125x128xf32, #tpu.memory_space<vmem>>)
      %run_scoped3A = arith.constant 6 : i32
      "tpu.region"() ({
        %run_scoped3A_76 = tpu.sem_alloc : memref<!tpu.dma_semaphore, #tpu.memory_space<semaphore_mem>>
        %dma_start3A_77 = arith.constant 0 : i32
        %dma_start3A_78 = tpu.memref_slice %arg6[%run_scoped3A, %dma_start3A_77] : memref<8x125xi32, #tpu.memory_space<vmem>> -> memref<1x125xi32, #tpu.memory_space<vmem>>
        %dma_start3A_79 = tpu.memref_squeeze %dma_start3A_78 : memref<1x125xi32, #tpu.memory_space<vmem>> -> memref<125xi32, #tpu.memory_space<vmem>>
        %dma_start3A_80 = arith.constant 0 : i32
        %dma_start3A_81 = arith.constant 0 : i32
        %dma_start3A_82 = tpu.memref_slice %arg10[%dma_start3A_80, %dma_start3A_81] : memref<10000x128xf32, #tpu.memory_space<vmem_shared>> -> memref<10000x128xf32, #tpu.memory_space<vmem_shared>>
        tpu.enqueue_indirect_dma source(%arg7 : memref<125x128xf32, #tpu.memory_space<vmem>>) target(%dma_start3A_82 : memref<10000x128xf32, #tpu.memory_space<vmem_shared>>) offsets(%dma_start3A_79 : memref<125xi32, #tpu.memory_space<vmem>>) semaphore(%run_scoped3A_76 : memref<!tpu.dma_semaphore, #tpu.memory_space<semaphore_mem>>) {add = true}
        %dma_wait3A_83 = arith.constant 0 : i32
        %dma_wait3A_84 = tpu.memref_slice %arg6[%run_scoped3A, %dma_wait3A_83] : memref<8x125xi32, #tpu.memory_space<vmem>> -> memref<1x125xi32, #tpu.memory_space<vmem>>
        %dma_wait3A_85 = tpu.memref_squeeze %dma_wait3A_84 : memref<1x125xi32, #tpu.memory_space<vmem>> -> memref<125xi32, #tpu.memory_space<vmem>>
        %dma_wait3A_86 = arith.constant 0 : i32
        %dma_wait3A_87 = arith.constant 0 : i32
        %dma_wait3A_88 = tpu.memref_slice %arg10[%dma_wait3A_86, %dma_wait3A_87] : memref<10000x128xf32, #tpu.memory_space<vmem_shared>> -> memref<10000x128xf32, #tpu.memory_space<vmem_shared>>
        tpu.wait_indirect_dma semaphore(%run_scoped3A_76 : memref<!tpu.dma_semaphore, #tpu.memory_space<semaphore_mem>>) src(%arg7 : memref<125x128xf32, #tpu.memory_space<vmem>>) dst(%dma_wait3A_88 : memref<10000x128xf32, #tpu.memory_space<vmem_shared>>)
        tpu.yield
      }) : () -> ()
      %dma_wait3A_67 = arith.constant 7 : i32
      %dma_wait3A_68 = arith.constant 0 : i32
      %dma_wait3A_69 = tpu.memref_slice %arg5[%dma_wait3A_67, %dma_wait3A_68] : memref<8x125xi32, #tpu.memory_space<vmem>> -> memref<1x125xi32, #tpu.memory_space<vmem>>
      %dma_wait3A_70 = tpu.memref_squeeze %dma_wait3A_69 : memref<1x125xi32, #tpu.memory_space<vmem>> -> memref<125xi32, #tpu.memory_space<vmem>>
      %dma_wait3A_71 = arith.constant 0 : i32
      %dma_wait3A_72 = arith.constant 0 : i32
      %dma_wait3A_73 = tpu.memref_slice %arg2[%dma_wait3A_71, %dma_wait3A_72] : memref<20000x128xf32, #tpu.memory_space<hbm>> -> memref<20000x128xf32, #tpu.memory_space<hbm>>
      tpu.wait_indirect_dma semaphore(%arg12 : memref<!tpu.dma_semaphore, #tpu.memory_space<semaphore_mem>>) src(%dma_wait3A_73 : memref<20000x128xf32, #tpu.memory_space<hbm>>) dst(%arg8 : memref<125x128xf32, #tpu.memory_space<vmem>>)
      %run_scoped3A_74 = arith.constant 7 : i32
      "tpu.region"() ({
        %run_scoped3A_76 = tpu.sem_alloc : memref<!tpu.dma_semaphore, #tpu.memory_space<semaphore_mem>>
        %dma_start3A_77 = arith.constant 0 : i32
        %dma_start3A_78 = tpu.memref_slice %arg6[%run_scoped3A_74, %dma_start3A_77] : memref<8x125xi32, #tpu.memory_space<vmem>> -> memref<1x125xi32, #tpu.memory_space<vmem>>
        %dma_start3A_79 = tpu.memref_squeeze %dma_start3A_78 : memref<1x125xi32, #tpu.memory_space<vmem>> -> memref<125xi32, #tpu.memory_space<vmem>>
        %dma_start3A_80 = arith.constant 0 : i32
        %dma_start3A_81 = arith.constant 0 : i32
        %dma_start3A_82 = tpu.memref_slice %arg10[%dma_start3A_80, %dma_start3A_81] : memref<10000x128xf32, #tpu.memory_space<vmem_shared>> -> memref<10000x128xf32, #tpu.memory_space<vmem_shared>>
        tpu.enqueue_indirect_dma source(%arg8 : memref<125x128xf32, #tpu.memory_space<vmem>>) target(%dma_start3A_82 : memref<10000x128xf32, #tpu.memory_space<vmem_shared>>) offsets(%dma_start3A_79 : memref<125xi32, #tpu.memory_space<vmem>>) semaphore(%run_scoped3A_76 : memref<!tpu.dma_semaphore, #tpu.memory_space<semaphore_mem>>) {add = true}
        %dma_wait3A_83 = arith.constant 0 : i32
        %dma_wait3A_84 = tpu.memref_slice %arg6[%run_scoped3A_74, %dma_wait3A_83] : memref<8x125xi32, #tpu.memory_space<vmem>> -> memref<1x125xi32, #tpu.memory_space<vmem>>
        %dma_wait3A_85 = tpu.memref_squeeze %dma_wait3A_84 : memref<1x125xi32, #tpu.memory_space<vmem>> -> memref<125xi32, #tpu.memory_space<vmem>>
        %dma_wait3A_86 = arith.constant 0 : i32
        %dma_wait3A_87 = arith.constant 0 : i32
        %dma_wait3A_88 = tpu.memref_slice %arg10[%dma_wait3A_86, %dma_wait3A_87] : memref<10000x128xf32, #tpu.memory_space<vmem_shared>> -> memref<10000x128xf32, #tpu.memory_space<vmem_shared>>
        tpu.wait_indirect_dma semaphore(%run_scoped3A_76 : memref<!tpu.dma_semaphore, #tpu.memory_space<semaphore_mem>>) src(%arg8 : memref<125x128xf32, #tpu.memory_space<vmem>>) dst(%dma_wait3A_88 : memref<10000x128xf32, #tpu.memory_space<vmem_shared>>)
        tpu.yield
      }) : () -> ()
      %scan3A_75 = arith.constant 0 : i32
      scf.yield %scan3A_75 : i32
    }
    %scan3A_19 = arith.constant 10 : i32
    %barrier3A_20 = arith.constant 0 : index
    tpu.barrier barrier_id(%barrier3A_20)
    %scan3A_21 = arith.constant 0 : i32
    %scan3A_22 = arith.constant 0 : i32
    %scan3A_23 = arith.constant 20 : i32
    %scan3A_24 = arith.addi %scan3A_22, %scan3A_23 : i32
    %scan3A_25 = arith.constant 1 : i32
    %scan3A_26 = scf.for %scan3A_28 = %scan3A_22 to %scan3A_24 step %scan3A_25 iter_args(%scan3A_29 = %scan3A_21) -> (i32)  : i32 {
      %mul3A = arith.constant 624 : i32
      %mul3A_30 = arith.muli %arg1, %mul3A : i32
      %mul3A_31 = arith.constant 32 : i32
      %mul3A_32 = arith.muli %scan3A_28, %mul3A_31 : i32
      %add3A = arith.addi %mul3A_30, %mul3A_32 : i32
      "tpu.region"() ({
        %run_scoped3A = tpu.sem_alloc : memref<!tpu.dma_semaphore, #tpu.memory_space<semaphore_mem>>
        %dma_start3A = arith.constant 0 : i32
        %dma_start3A_42 = tpu.memref_slice %arg10[%add3A, %dma_start3A] : memref<10000x128xf32, #tpu.memory_space<vmem_shared>> -> memref<32x128xf32, #tpu.memory_space<vmem_shared>>
        %dma_start3A_43 = arith.constant 0 : i32
        %dma_start3A_44 = tpu.memref_slice %arg10[%add3A, %dma_start3A_43] : memref<10000x128xf32, #tpu.memory_space<vmem_shared>> -> memref<32x128xf32, #tpu.memory_space<vmem_shared>>
        tpu.enqueue_dma source(%dma_start3A_44 : memref<32x128xf32, #tpu.memory_space<vmem_shared>>) target(%arg9 : memref<32x128xf32, #tpu.memory_space<vmem>>) target_semaphore(%run_scoped3A : memref<!tpu.dma_semaphore, #tpu.memory_space<semaphore_mem>>)
        %dma_wait3A = arith.constant 0 : i32
        %dma_wait3A_45 = tpu.memref_slice %arg10[%add3A, %dma_wait3A] : memref<10000x128xf32, #tpu.memory_space<vmem_shared>> -> memref<32x128xf32, #tpu.memory_space<vmem_shared>>
        %dma_wait3A_46 = arith.constant 0 : i32
        %dma_wait3A_47 = tpu.memref_slice %arg10[%add3A, %dma_wait3A_46] : memref<10000x128xf32, #tpu.memory_space<vmem_shared>> -> memref<32x128xf32, #tpu.memory_space<vmem_shared>>
        tpu.wait_dma2 semaphore(%run_scoped3A : memref<!tpu.dma_semaphore, #tpu.memory_space<semaphore_mem>>) src(%dma_wait3A_47 : memref<32x128xf32, #tpu.memory_space<vmem_shared>>) dst(%arg9 : memref<32x128xf32, #tpu.memory_space<vmem>>)
        tpu.yield
      }) : () -> ()
      %mul3A_33 = arith.constant 10000 : i32
      %mul3A_34 = arith.muli %arg0, %mul3A_33 : i32
      %mul3A_35 = arith.constant 624 : i32
      %mul3A_36 = arith.muli %arg1, %mul3A_35 : i32
      %add3A_37 = arith.addi %mul3A_34, %mul3A_36 : i32
      %mul3A_38 = arith.constant 32 : i32
      %mul3A_39 = arith.muli %scan3A_28, %mul3A_38 : i32
      %add3A_40 = arith.addi %add3A_37, %mul3A_39 : i32
      "tpu.region"() ({
        %run_scoped3A = tpu.sem_alloc : memref<!tpu.dma_semaphore, #tpu.memory_space<semaphore_mem>>
        %dma_start3A = arith.constant 0 : i32
        %dma_start3A_42 = tpu.memref_slice %arg4[%add3A_40, %dma_start3A] : memref<20000x128xf32, #tpu.memory_space<hbm>> -> memref<32x128xf32, #tpu.memory_space<hbm>>
        %dma_start3A_43 = arith.constant 0 : i32
        %dma_start3A_44 = tpu.memref_slice %arg4[%add3A_40, %dma_start3A_43] : memref<20000x128xf32, #tpu.memory_space<hbm>> -> memref<32x128xf32, #tpu.memory_space<hbm>>
        tpu.enqueue_dma source(%arg9 : memref<32x128xf32, #tpu.memory_space<vmem>>) target(%dma_start3A_44 : memref<32x128xf32, #tpu.memory_space<hbm>>) target_semaphore(%run_scoped3A : memref<!tpu.dma_semaphore, #tpu.memory_space<semaphore_mem>>)
        %dma_wait3A = arith.constant 0 : i32
        %dma_wait3A_45 = tpu.memref_slice %arg4[%add3A_40, %dma_wait3A] : memref<20000x128xf32, #tpu.memory_space<hbm>> -> memref<32x128xf32, #tpu.memory_space<hbm>>
        %dma_wait3A_46 = arith.constant 0 : i32
        %dma_wait3A_47 = tpu.memref_slice %arg4[%add3A_40, %dma_wait3A_46] : memref<20000x128xf32, #tpu.memory_space<hbm>> -> memref<32x128xf32, #tpu.memory_space<hbm>>
        tpu.wait_dma2 semaphore(%run_scoped3A : memref<!tpu.dma_semaphore, #tpu.memory_space<semaphore_mem>>) src(%arg9 : memref<32x128xf32, #tpu.memory_space<vmem>>) dst(%dma_wait3A_47 : memref<32x128xf32, #tpu.memory_space<hbm>>)
        tpu.yield
      }) : () -> ()
      %scan3A_41 = arith.constant 0 : i32
      scf.yield %scan3A_41 : i32
    }
    %scan3A_27 = arith.constant 20 : i32
    return
  }
}

module attributes {stable_mosaic.version = 14 : i64} {
  func.func @_tc_matmul_body(%arg0: i32, %arg1: memref<1000x256xf32, #tpu.memory_space<vmem>>, %arg2: memref<256x256xf32, #tpu.memory_space<vmem>>, %arg3: memref<1x1000x1xf32, #tpu.memory_space<vmem>>, %arg4: memref<2x1000x128xf32, #tpu.memory_space<vmem>>) attributes {dimension_semantics = [#tpu.dimension_semantics<arbitrary>], iteration_bounds = array<i64: 10>, scalar_prefetch = 0 : i64, scratch_operands = 0 : i64, tpu.core_type = #tpu.core_type<tc>, window_params = [{transform_indices = @transform_0, window_bounds = array<i64: 1000, 256>}, {pipeline_mode = #tpu.pipeline_mode<synchronous>, transform_indices = @transform_1, window_bounds = array<i64: 256, 256>}, {transform_indices = @transform_2, window_bounds = array<i64: 1, 1000, 1>}, {transform_indices = @transform_3, window_bounds = array<i64: 2, 1000, 128>}]} {
    %get3A = arith.constant 0 : index
    %get3A_0 = arith.constant 0 : index
    %get3A_1 = arith.constant 0 : index
    %get3A_2 = vector.load %arg3[%get3A, %get3A_0, %get3A_1] : memref<1x1000x1xf32, #tpu.memory_space<vmem>>, vector<1x1000x1xf32>
    %get3A_3 = vector.shape_cast %get3A_2 : vector<1x1000x1xf32> to vector<1000x1xf32>
    %gt3A = arith.constant 0.000000e+00 : f32
    %gt3A_4 = vector.broadcast %gt3A : f32 to vector<1000x1xf32>
    %gt3A_5 = arith.cmpf ogt, %get3A_3, %gt3A_4 : vector<1000x1xf32>
    %max3A = arith.constant 1.000000e+00 : f32
    %max3A_6 = vector.broadcast %max3A : f32 to vector<1000x1xf32>
    %max3A_7 = arith.maximumf %get3A_3, %max3A_6 : vector<1000x1xf32>
    %rsqrt3A = math.rsqrt %max3A_7 : vector<1000x1xf32>
    %jit3A = arith.constant 0.000000e+00 : f32
    %broadcast_in_dim3A = vector.broadcast %jit3A : f32 to vector<1000x1xf32>
    %select_n3A = arith.select %gt3A_5, %rsqrt3A, %broadcast_in_dim3A : vector<1000x1xi1>, vector<1000x1xf32>
    %get3A_8 = arith.constant 0 : index
    %get3A_9 = arith.constant 0 : index
    %get3A_10 = vector.load %arg1[%get3A_8, %get3A_9] : memref<1000x256xf32, #tpu.memory_space<vmem>>, vector<1000x256xf32>
    %mul3A = vector.broadcast %select_n3A : vector<1000x1xf32> to vector<1000x256xf32>
    %mul3A_11 = arith.mulf %get3A_10, %mul3A : vector<1000x256xf32>
    %get3A_12 = arith.constant 0 : index
    %get3A_13 = arith.constant 0 : index
    %get3A_14 = vector.load %arg2[%get3A_12, %get3A_13] : memref<256x256xf32, #tpu.memory_space<vmem>>, vector<256x256xf32>
    %dot_general3A = arith.constant dense<0.000000e+00> : vector<1000x256xf32>
    %dot_general3A_15 = tpu.matmul %mul3A_11, %get3A_14, %dot_general3A {dimension_numbers = #tpu.dot_dimension_numbers<[1], [0], [0], [1], [0, 0, 1, 1], [], []>, transpose_lhs_hint = false} : vector<1000x256xf32>, vector<256x256xf32>, vector<1000x256xf32> -> vector<1000x256xf32>
    %slice3A = vector.extract_strided_slice %dot_general3A_15 {offsets = [0, 0], sizes = [1000, 128], strides = [1, 1]} : vector<1000x256xf32> to vector<1000x128xf32>
    %swap3A = arith.constant 0 : index
    %swap3A_16 = arith.constant 0 : index
    %swap3A_17 = arith.constant 0 : index
    %swap3A_18 = vector.load %arg4[%swap3A, %swap3A_16, %swap3A_17] : memref<2x1000x128xf32, #tpu.memory_space<vmem>>, vector<1x1000x128xf32>
    %swap3A_19 = vector.shape_cast %swap3A_18 : vector<1x1000x128xf32> to vector<1000x128xf32>
    %swap3A_20 = vector.shape_cast %slice3A : vector<1000x128xf32> to vector<1x1000x128xf32>
    tpu.vector_store %arg4[%swap3A, %swap3A_16, %swap3A_17], %swap3A_20 {strides = array<i32>} : memref<2x1000x128xf32, #tpu.memory_space<vmem>>, vector<1x1000x128xf32>,
    %slice3A_21 = vector.extract_strided_slice %dot_general3A_15 {offsets = [0, 128], sizes = [1000, 128], strides = [1, 1]} : vector<1000x256xf32> to vector<1000x128xf32>
    %swap3A_22 = arith.constant 1 : index
    %swap3A_23 = arith.constant 0 : index
    %swap3A_24 = arith.constant 0 : index
    %swap3A_25 = vector.load %arg4[%swap3A_22, %swap3A_23, %swap3A_24] : memref<2x1000x128xf32, #tpu.memory_space<vmem>>, vector<1x1000x128xf32>
    %swap3A_26 = vector.shape_cast %swap3A_25 : vector<1x1000x128xf32> to vector<1000x128xf32>
    %swap3A_27 = vector.shape_cast %slice3A_21 : vector<1000x128xf32> to vector<1x1000x128xf32>
    tpu.vector_store %arg4[%swap3A_22, %swap3A_23, %swap3A_24], %swap3A_27 {strides = array<i32>} : memref<2x1000x128xf32, #tpu.memory_space<vmem>>, vector<1x1000x128xf32>,
    return
  }
  func.func @transform_0(%arg0: i32) -> (i32, i32) {
    %c0_i32 = arith.constant 0 : i32
    %c0_i32_0 = arith.constant 0 : i32
    return %arg0, %c0_i32 : i32, i32
  }
  func.func @transform_1(%arg0: i32) -> (i32, i32) {
    %c0_i32 = arith.constant 0 : i32
    %c0_i32_0 = arith.constant 0 : i32
    %c0_i32_1 = arith.constant 0 : i32
    return %c0_i32, %c0_i32_0 : i32, i32
  }
  func.func @transform_2(%arg0: i32) -> (i32, i32, i32) {
    %c0_i32 = arith.constant 0 : i32
    %c0_i32_0 = arith.constant 0 : i32
    %c0_i32_1 = arith.constant 0 : i32
    return %c0_i32, %arg0, %c0_i32_0 : i32, i32, i32
  }
  func.func @transform_3(%arg0: i32) -> (i32, i32, i32) {
    %c0_i32 = arith.constant 0 : i32
    %c0_i32_0 = arith.constant 0 : i32
    %c0_i32_1 = arith.constant 0 : i32
    return %c0_i32, %arg0, %c0_i32_0 : i32, i32, i32
  }
}

module attributes {stable_mosaic.version = 14 : i64} {
  func.func @_tc_stats_body(%arg0: i32, %arg1: memref<2x1000x128xf32, #tpu.memory_space<vmem>>, %arg2: memref<1x1000x1xf32, #tpu.memory_space<vmem>>, %arg3: memref<1x256xf32, #tpu.memory_space<vmem>>, %arg4: memref<2x256xf32, #tpu.memory_space<vmem>>) attributes {dimension_semantics = [#tpu.dimension_semantics<arbitrary>], iteration_bounds = array<i64: 10>, scalar_prefetch = 0 : i64, scratch_operands = 0 : i64, tpu.core_type = #tpu.core_type<tc>, window_params = [{transform_indices = @transform_0, window_bounds = array<i64: 2, 1000, 128>}, {transform_indices = @transform_1, window_bounds = array<i64: 1, 1000, 1>}, {pipeline_mode = #tpu.pipeline_mode<synchronous>, transform_indices = @transform_2, window_bounds = array<i64: 1, 256>}, {pipeline_mode = #tpu.pipeline_mode<synchronous>, transform_indices = @transform_3, window_bounds = array<i64: 2, 256>}]} {
    %get3A = arith.constant 0 : index
    %get3A_0 = arith.constant 0 : index
    %get3A_1 = arith.constant 0 : index
    %get3A_2 = vector.load %arg1[%get3A, %get3A_0, %get3A_1] : memref<2x1000x128xf32, #tpu.memory_space<vmem>>, vector<1x1000x128xf32>
    %get3A_3 = vector.shape_cast %get3A_2 : vector<1x1000x128xf32> to vector<1000x128xf32>
    %get3A_4 = arith.constant 1 : index
    %get3A_5 = arith.constant 0 : index
    %get3A_6 = arith.constant 0 : index
    %get3A_7 = vector.load %arg1[%get3A_4, %get3A_5, %get3A_6] : memref<2x1000x128xf32, #tpu.memory_space<vmem>>, vector<1x1000x128xf32>
    %get3A_8 = vector.shape_cast %get3A_7 : vector<1x1000x128xf32> to vector<1000x128xf32>
    %concatenate3A = tpu.concatenate %get3A_3, %get3A_8 in 1 : vector<1000x128xf32>, vector<1000x128xf32> -> vector<1000x256xf32>
    %get3A_9 = arith.constant 0 : index
    %get3A_10 = arith.constant 0 : index
    %get3A_11 = arith.constant 0 : index
    %get3A_12 = vector.load %arg2[%get3A_9, %get3A_10, %get3A_11] : memref<1x1000x1xf32, #tpu.memory_space<vmem>>, vector<1x1000x1xf32>
    %get3A_13 = vector.shape_cast %get3A_12 : vector<1x1000x1xf32> to vector<1000x1xf32>
    %gt3A = arith.constant 0.000000e+00 : f32
    %gt3A_14 = vector.broadcast %gt3A : f32 to vector<1000x1xf32>
    %gt3A_15 = arith.cmpf ogt, %get3A_13, %gt3A_14 : vector<1000x1xf32>
    %max3A = arith.constant 1.000000e+00 : f32
    %max3A_16 = vector.broadcast %max3A : f32 to vector<1000x1xf32>
    %max3A_17 = arith.maximumf %get3A_13, %max3A_16 : vector<1000x1xf32>
    %rsqrt3A = math.rsqrt %max3A_17 : vector<1000x1xf32>
    %jit3A = arith.constant 0.000000e+00 : f32
    %broadcast_in_dim3A = vector.broadcast %jit3A : f32 to vector<1000x1xf32>
    %select_n3A = arith.select %gt3A_15, %rsqrt3A, %broadcast_in_dim3A : vector<1000x1xi1>, vector<1000x1xf32>
    %mul3A = vector.broadcast %select_n3A : vector<1000x1xf32> to vector<1000x256xf32>
    %mul3A_18 = arith.mulf %concatenate3A, %mul3A : vector<1000x256xf32>
    %get3A_19 = arith.constant 0 : index
    %get3A_20 = arith.constant 0 : index
    %get3A_21 = vector.load %arg3[%get3A_19, %get3A_20] : memref<1x256xf32, #tpu.memory_space<vmem>>, vector<1x256xf32>
    %add3A = vector.broadcast %get3A_21 : vector<1x256xf32> to vector<1000x256xf32>
    %add3A_22 = arith.addf %mul3A_18, %add3A : vector<1000x256xf32>
    %eq3A = arith.constant 0 : i32
    %eq3A_23 = arith.cmpi eq, %arg0, %eq3A : i32
    %convert_element_type3A = arith.extui %eq3A_23 : i1 to i32
    %cond3A = arith.constant 0 : i32
    %cond3A_24 = arith.cmpi ne, %convert_element_type3A, %cond3A : i32
    scf.if %cond3A_24 {
      %broadcast_in_dim3A_48 = arith.constant 0.000000e+00 : f32
      %broadcast_in_dim3A_49 = vector.broadcast %broadcast_in_dim3A_48 : f32 to vector<2x256xf32>
      %swap3A_50 = arith.constant 0 : index
      %swap3A_51 = arith.constant 0 : index
      %swap3A_52 = vector.load %arg4[%swap3A_50, %swap3A_51] : memref<2x256xf32, #tpu.memory_space<vmem>>, vector<2x256xf32>
      tpu.vector_store %arg4[%swap3A_50, %swap3A_51], %broadcast_in_dim3A_49 {strides = array<i32>} : memref<2x256xf32, #tpu.memory_space<vmem>>, vector<2x256xf32>,
    } else {
    }
    %get3A_25 = arith.constant 0 : index
    %get3A_26 = arith.constant 0 : index
    %get3A_27 = vector.load %arg4[%get3A_25, %get3A_26] : memref<2x256xf32, #tpu.memory_space<vmem>>, vector<1x256xf32>
    %get3A_28 = vector.shape_cast %get3A_27 : vector<1x256xf32> to vector<256xf32>
    %reduce_sum3A = arith.constant dense<0.000000e+00> : vector<256xf32>
    %reduce_sum3A_29 = vector.multi_reduction <add>, %add3A_22, %reduce_sum3A [0] : vector<1000x256xf32> to vector<256xf32>
    %add3A_30 = arith.addf %get3A_28, %reduce_sum3A_29 : vector<256xf32>
    %swap3A = arith.constant 0 : index
    %swap3A_31 = arith.constant 0 : index
    %swap3A_32 = vector.load %arg4[%swap3A, %swap3A_31] : memref<2x256xf32, #tpu.memory_space<vmem>>, vector<1x256xf32>
    %swap3A_33 = vector.shape_cast %swap3A_32 : vector<1x256xf32> to vector<256xf32>
    %swap3A_34 = vector.shape_cast %add3A_30 : vector<256xf32> to vector<1x256xf32>
    tpu.vector_store %arg4[%swap3A, %swap3A_31], %swap3A_34 {strides = array<i32>} : memref<2x256xf32, #tpu.memory_space<vmem>>, vector<1x256xf32>,
    %get3A_35 = arith.constant 1 : index
    %get3A_36 = arith.constant 0 : index
    %get3A_37 = vector.load %arg4[%get3A_35, %get3A_36] : memref<2x256xf32, #tpu.memory_space<vmem>>, vector<1x256xf32>
    %get3A_38 = vector.shape_cast %get3A_37 : vector<1x256xf32> to vector<256xf32>
    %mul3A_39 = arith.mulf %add3A_22, %add3A_22 : vector<1000x256xf32>
    %reduce_sum3A_40 = arith.constant dense<0.000000e+00> : vector<256xf32>
    %reduce_sum3A_41 = vector.multi_reduction <add>, %mul3A_39, %reduce_sum3A_40 [0] : vector<1000x256xf32> to vector<256xf32>
    %add3A_42 = arith.addf %get3A_38, %reduce_sum3A_41 : vector<256xf32>
    %swap3A_43 = arith.constant 1 : index
    %swap3A_44 = arith.constant 0 : index
    %swap3A_45 = vector.load %arg4[%swap3A_43, %swap3A_44] : memref<2x256xf32, #tpu.memory_space<vmem>>, vector<1x256xf32>
    %swap3A_46 = vector.shape_cast %swap3A_45 : vector<1x256xf32> to vector<256xf32>
    %swap3A_47 = vector.shape_cast %add3A_42 : vector<256xf32> to vector<1x256xf32>
    tpu.vector_store %arg4[%swap3A_43, %swap3A_44], %swap3A_47 {strides = array<i32>} : memref<2x256xf32, #tpu.memory_space<vmem>>, vector<1x256xf32>,
    return
  }
  func.func @transform_0(%arg0: i32) -> (i32, i32, i32) {
    %c0_i32 = arith.constant 0 : i32
    %c0_i32_0 = arith.constant 0 : i32
    %c0_i32_1 = arith.constant 0 : i32
    return %c0_i32, %arg0, %c0_i32_0 : i32, i32, i32
  }
  func.func @transform_1(%arg0: i32) -> (i32, i32, i32) {
    %c1_i32 = arith.constant 1 : i32
    %c0_i32 = arith.constant 0 : i32
    %c0_i32_0 = arith.constant 0 : i32
    return %c1_i32, %arg0, %c0_i32 : i32, i32, i32
  }
  func.func @transform_2(%arg0: i32) -> (i32, i32) {
    %c0_i32 = arith.constant 0 : i32
    %c0_i32_0 = arith.constant 0 : i32
    %c0_i32_1 = arith.constant 0 : i32
    return %c0_i32, %c0_i32_0 : i32, i32
  }
  func.func @transform_3(%arg0: i32) -> (i32, i32) {
    %c0_i32 = arith.constant 0 : i32
    %c0_i32_0 = arith.constant 0 : i32
    %c0_i32_1 = arith.constant 0 : i32
    return %c0_i32, %c0_i32_0 : i32, i32
  }
}

module attributes {stable_mosaic.version = 14 : i64} {
  func.func @_tc_apply_body(%arg0: i32, %arg1: memref<2x1000x128xf32, #tpu.memory_space<vmem>>, %arg2: memref<1x1000x1xf32, #tpu.memory_space<vmem>>, %arg3: memref<2x256xf32, #tpu.memory_space<vmem>>, %arg4: memref<1000x256xf32, #tpu.memory_space<vmem>>, %arg5: memref<1x256xf32, #tpu.memory_space<vmem>>, %arg6: memref<1x256xf32, #tpu.memory_space<vmem>>, %arg7: memref<1x256xf32, #tpu.memory_space<vmem>>, %arg8: memref<1000x256xf32, #tpu.memory_space<vmem>>) attributes {dimension_semantics = [#tpu.dimension_semantics<arbitrary>], iteration_bounds = array<i64: 10>, scalar_prefetch = 0 : i64, scratch_operands = 0 : i64, tpu.core_type = #tpu.core_type<tc>, window_params = [{transform_indices = @transform_0, window_bounds = array<i64: 2, 1000, 128>}, {transform_indices = @transform_1, window_bounds = array<i64: 1, 1000, 1>}, {pipeline_mode = #tpu.pipeline_mode<synchronous>, transform_indices = @transform_2, window_bounds = array<i64: 2, 256>}, {transform_indices = @transform_3, window_bounds = array<i64: 1000, 256>}, {pipeline_mode = #tpu.pipeline_mode<synchronous>, transform_indices = @transform_4, window_bounds = array<i64: 1, 256>}, {pipeline_mode = #tpu.pipeline_mode<synchronous>, transform_indices = @transform_5, window_bounds = array<i64: 1, 256>}, {pipeline_mode = #tpu.pipeline_mode<synchronous>, transform_indices = @transform_6, window_bounds = array<i64: 1, 256>}, {transform_indices = @transform_7, window_bounds = array<i64: 1000, 256>}]} {
    %get3A = arith.constant 0 : index
    %get3A_0 = arith.constant 0 : index
    %get3A_1 = arith.constant 0 : index
    %get3A_2 = vector.load %arg1[%get3A, %get3A_0, %get3A_1] : memref<2x1000x128xf32, #tpu.memory_space<vmem>>, vector<1x1000x128xf32>
    %get3A_3 = vector.shape_cast %get3A_2 : vector<1x1000x128xf32> to vector<1000x128xf32>
    %get3A_4 = arith.constant 1 : index
    %get3A_5 = arith.constant 0 : index
    %get3A_6 = arith.constant 0 : index
    %get3A_7 = vector.load %arg1[%get3A_4, %get3A_5, %get3A_6] : memref<2x1000x128xf32, #tpu.memory_space<vmem>>, vector<1x1000x128xf32>
    %get3A_8 = vector.shape_cast %get3A_7 : vector<1x1000x128xf32> to vector<1000x128xf32>
    %concatenate3A = tpu.concatenate %get3A_3, %get3A_8 in 1 : vector<1000x128xf32>, vector<1000x128xf32> -> vector<1000x256xf32>
    %get3A_9 = arith.constant 0 : index
    %get3A_10 = arith.constant 0 : index
    %get3A_11 = arith.constant 0 : index
    %get3A_12 = vector.load %arg2[%get3A_9, %get3A_10, %get3A_11] : memref<1x1000x1xf32, #tpu.memory_space<vmem>>, vector<1x1000x1xf32>
    %get3A_13 = vector.shape_cast %get3A_12 : vector<1x1000x1xf32> to vector<1000x1xf32>
    %gt3A = arith.constant 0.000000e+00 : f32
    %gt3A_14 = vector.broadcast %gt3A : f32 to vector<1000x1xf32>
    %gt3A_15 = arith.cmpf ogt, %get3A_13, %gt3A_14 : vector<1000x1xf32>
    %max3A = arith.constant 1.000000e+00 : f32
    %max3A_16 = vector.broadcast %max3A : f32 to vector<1000x1xf32>
    %max3A_17 = arith.maximumf %get3A_13, %max3A_16 : vector<1000x1xf32>
    %rsqrt3A = math.rsqrt %max3A_17 : vector<1000x1xf32>
    %jit3A = arith.constant 0.000000e+00 : f32
    %broadcast_in_dim3A = vector.broadcast %jit3A : f32 to vector<1000x1xf32>
    %select_n3A = arith.select %gt3A_15, %rsqrt3A, %broadcast_in_dim3A : vector<1000x1xi1>, vector<1000x1xf32>
    %mul3A = vector.broadcast %select_n3A : vector<1000x1xf32> to vector<1000x256xf32>
    %mul3A_18 = arith.mulf %concatenate3A, %mul3A : vector<1000x256xf32>
    %get3A_19 = arith.constant 0 : index
    %get3A_20 = arith.constant 0 : index
    %get3A_21 = vector.load %arg5[%get3A_19, %get3A_20] : memref<1x256xf32, #tpu.memory_space<vmem>>, vector<1x256xf32>
    %add3A = vector.broadcast %get3A_21 : vector<1x256xf32> to vector<1000x256xf32>
    %add3A_22 = arith.addf %mul3A_18, %add3A : vector<1000x256xf32>
    %get3A_23 = arith.constant 0 : index
    %get3A_24 = arith.constant 0 : index
    %get3A_25 = vector.load %arg3[%get3A_23, %get3A_24] : memref<2x256xf32, #tpu.memory_space<vmem>>, vector<1x256xf32>
    %mul3A_26 = arith.constant 9.99999974E-5 : f32
    %mul3A_27 = vector.broadcast %mul3A_26 : f32 to vector<1x256xf32>
    %mul3A_28 = arith.mulf %get3A_25, %mul3A_27 : vector<1x256xf32>
    %get3A_29 = arith.constant 1 : index
    %get3A_30 = arith.constant 0 : index
    %get3A_31 = vector.load %arg3[%get3A_29, %get3A_30] : memref<2x256xf32, #tpu.memory_space<vmem>>, vector<1x256xf32>
    %mul3A_32 = arith.constant 9.99999974E-5 : f32
    %mul3A_33 = vector.broadcast %mul3A_32 : f32 to vector<1x256xf32>
    %mul3A_34 = arith.mulf %get3A_31, %mul3A_33 : vector<1x256xf32>
    %mul3A_35 = arith.mulf %mul3A_28, %mul3A_28 : vector<1x256xf32>
    %sub3A = arith.subf %mul3A_34, %mul3A_35 : vector<1x256xf32>
    %add3A_36 = arith.constant 9.99999974E-6 : f32
    %add3A_37 = vector.broadcast %add3A_36 : f32 to vector<1x256xf32>
    %add3A_38 = arith.addf %sub3A, %add3A_37 : vector<1x256xf32>
    %rsqrt3A_39 = math.rsqrt %add3A_38 : vector<1x256xf32>
    %sub3A_40 = vector.broadcast %mul3A_28 : vector<1x256xf32> to vector<1000x256xf32>
    %sub3A_41 = arith.subf %add3A_22, %sub3A_40 : vector<1000x256xf32>
    %mul3A_42 = vector.broadcast %rsqrt3A_39 : vector<1x256xf32> to vector<1000x256xf32>
    %mul3A_43 = arith.mulf %sub3A_41, %mul3A_42 : vector<1000x256xf32>
    %get3A_44 = arith.constant 0 : index
    %get3A_45 = arith.constant 0 : index
    %get3A_46 = vector.load %arg6[%get3A_44, %get3A_45] : memref<1x256xf32, #tpu.memory_space<vmem>>, vector<1x256xf32>
    %mul3A_47 = vector.broadcast %get3A_46 : vector<1x256xf32> to vector<1000x256xf32>
    %mul3A_48 = arith.mulf %mul3A_43, %mul3A_47 : vector<1000x256xf32>
    %get3A_49 = arith.constant 0 : index
    %get3A_50 = arith.constant 0 : index
    %get3A_51 = vector.load %arg7[%get3A_49, %get3A_50] : memref<1x256xf32, #tpu.memory_space<vmem>>, vector<1x256xf32>
    %add3A_52 = vector.broadcast %get3A_51 : vector<1x256xf32> to vector<1000x256xf32>
    %add3A_53 = arith.addf %mul3A_48, %add3A_52 : vector<1000x256xf32>
    %get3A_54 = arith.constant 0 : index
    %get3A_55 = arith.constant 0 : index
    %get3A_56 = vector.load %arg4[%get3A_54, %get3A_55] : memref<1000x256xf32, #tpu.memory_space<vmem>>, vector<1000x256xf32>
    %max3A_57 = arith.constant 0.000000e+00 : f32
    %max3A_58 = vector.broadcast %max3A_57 : f32 to vector<1000x256xf32>
    %max3A_59 = arith.maximumf %add3A_53, %max3A_58 : vector<1000x256xf32>
    %add3A_60 = arith.addf %get3A_56, %max3A_59 : vector<1000x256xf32>
    %swap3A = arith.constant 0 : index
    %swap3A_61 = arith.constant 0 : index
    %swap3A_62 = vector.load %arg8[%swap3A, %swap3A_61] : memref<1000x256xf32, #tpu.memory_space<vmem>>, vector<1000x256xf32>
    tpu.vector_store %arg8[%swap3A, %swap3A_61], %add3A_60 {strides = array<i32>} : memref<1000x256xf32, #tpu.memory_space<vmem>>, vector<1000x256xf32>,
    return
  }
  func.func @transform_0(%arg0: i32) -> (i32, i32, i32) {
    %c0_i32 = arith.constant 0 : i32
    %c0_i32_0 = arith.constant 0 : i32
    %c0_i32_1 = arith.constant 0 : i32
    return %c0_i32, %arg0, %c0_i32_0 : i32, i32, i32
  }
  func.func @transform_1(%arg0: i32) -> (i32, i32, i32) {
    %c1_i32 = arith.constant 1 : i32
    %c0_i32 = arith.constant 0 : i32
    %c0_i32_0 = arith.constant 0 : i32
    return %c1_i32, %arg0, %c0_i32 : i32, i32, i32
  }
  func.func @transform_2(%arg0: i32) -> (i32, i32) {
    %c0_i32 = arith.constant 0 : i32
    %c0_i32_0 = arith.constant 0 : i32
    %c0_i32_1 = arith.constant 0 : i32
    return %c0_i32, %c0_i32_0 : i32, i32
  }
  func.func @transform_3(%arg0: i32) -> (i32, i32) {
    %c0_i32 = arith.constant 0 : i32
    %c0_i32_0 = arith.constant 0 : i32
    return %arg0, %c0_i32 : i32, i32
  }
  func.func @transform_4(%arg0: i32) -> (i32, i32) {
    %c0_i32 = arith.constant 0 : i32
    %c0_i32_0 = arith.constant 0 : i32
    %c0_i32_1 = arith.constant 0 : i32
    return %c0_i32, %c0_i32_0 : i32, i32
  }
  func.func @transform_5(%arg0: i32) -> (i32, i32) {
    %c0_i32 = arith.constant 0 : i32
    %c0_i32_0 = arith.constant 0 : i32
    %c0_i32_1 = arith.constant 0 : i32
    return %c0_i32, %c0_i32_0 : i32, i32
  }
  func.func @transform_6(%arg0: i32) -> (i32, i32) {
    %c0_i32 = arith.constant 0 : i32
    %c0_i32_0 = arith.constant 0 : i32
    %c0_i32_1 = arith.constant 0 : i32
    return %c0_i32, %c0_i32_0 : i32, i32
  }
  func.func @transform_7(%arg0: i32) -> (i32, i32) {
    %c0_i32 = arith.constant 0 : i32
    %c0_i32_0 = arith.constant 0 : i32
    return %arg0, %c0_i32 : i32, i32
  }
}

</mosaic_0001>

<sc_bundles>
// kernel: kernel.10.cloned.1.call-start
scs
__scs_entry_jumppad:
0x0: {  	(pc) =	sbr.rel $0x88, $3  }
0x1: {  	(tag) =	ssettag $0x0;
	lr =	simm.s32 $0x1  }
0x2: {  	[smem:$0x3F9B] =	sst lr;
	_ =	strace $0xD0000000  }
0x3: {  	_ = 	snop  }
0x4: {  	_ = 	snop  }
0x5: {  	_ = 	snop  }
0x6: {  	_ = 	snop  }
0x7: {  	_ = 	snop  }
__scs_overlays_trampoline_lowered:
0x8: {  	[smem:$0x3FAA] =	sst s0  }
0x9: {  	[smem:$0x3FAB] =	sst s1  }
0xa: {  	[smem:$0x3FAC] =	sst s2  }
0xb: {  	[smem:$0x3FAD] =	sst s3  }
0xc: {  	[smem:$0x3FAE] =	sst s4  }
0xd: {  	[smem:$0x3FAF] =	sst s5  }
0xe: {  	[smem:$0x3FB0] =	sst s6  }
0xf: {  	[smem:$0x3FB1] =	sst s7  }
0x10: {  	[smem:$0x3FB2] =	sst s8  }
0x11: {  	[smem:$0x3FB3] =	sst s9;
	s0 =	simm.s32 @!p0 $0x0  }
0x12: {  	s1 =	sld [smem:$0x3F99];
	s0 =	simm.s32 @p0 $0x1  }
0x13: {  	[smem:$0x3FB4] =	sst s0;
	s0 =	simm.s32 @!p1 $0x0  }
0x14: {  	s2 =	sld [smem:$0x3F98];
	s0 =	simm.s32 @p1 $0x1  }
0x15: {  	[smem:$0x3FB5] =	sst s0;
	s0 =	simm.s32 @!p2 $0x0  }
0x16: {  	s3 =	sld [smem:$0x3FDB];
	s0 =	simm.s32 @p2 $0x1  }
0x17: {  	s4 =	simm.s32 $0x1BF5;
	[smem:$0x3FB7] =	sst s0  }
0x18: {  	s0 =	sld [smem:$0x3F9A];
	_ =	swait.ge [sflag:s4], $0x0  }
0x19: {  	s7 =	sld [smem:$0x3F9B]  }
0x1a: {  	s8 =	sadd.s32 $0xFFFFE003, lr  }
0x1b: {  	s9 =	sadd.s32 $0xFFFFFEF7, lr;
	s5 =	simm.s32 $0xFFFFFFFF;
	p2 =	slt.u32 s8, $0xFFFFF086  }
0x1c: {  	p1 =	slt.u32 s9, $0xF7A;
	s5 =	simm.s32 @!p2 $0x0  }
0x1d: {  	s5 =	simm.s32 @p1 $0x1;
	p0 =	seq.s32 s7, s2  }
0x1e: {  	s7 =	smul.u32 @!p0 $0xF7A, s2;
	p2 =	seq.s32 @!p0 s5, $0x0  }
0x1f: {  	s9 =	smul.u32 $0xF7A, s1;
	s8 =	simm.s32 @!p0 $0x1BF5;
	p2 =	por !p2, p0  }
0x20: {  	[sflag:s8] =	ssyncset.s32 @!p0 $0xFFFFF086;
	s6 =	sadd.s32 @!p0 s3, s7;
	s7 =	simm.s32 @!p0 $0x108  }
0x21: {  	s3 =	sadd.s32 s3, s9;
	s6 =	sadd.s32 @!p0 $0x88, s6;
	s7 =	simm.s32 @p2 $0x1082  }
0x22: {  	[simem:s7], [sflag:s8] =	dma.local @!p0 [hbm:s6], $0xF7A  }
0x23: {  	s9 =	sor.u32 $0xD0000000, s2;
	s6 =	simm.s32 $0x108;
	_ =	swait.ge @!p0 [sflag:s8], $0x0  }
0x24: {  	s3 =	sadd.s32 $0x88, s3;
	s6 =	simm.s32 @!p1 $0x1082;
	[sflag:s4] =	ssyncset.s32 $0xFFFFF086  }
0x25: {  	[simem:s6], [sflag:s4] =	dma.local [hbm:s3], $0xF7A  }
0x26: {  	[smem:$0x3F9B] =	sst s1;
	(tag) =	ssettag s2;
	_ =	strace s9  }
0x27: {  	s1 =	sld [smem:$0x3FAB]  }
0x28: {  	s2 =	sld [smem:$0x3FAC]  }
0x29: {  	s4 =	sld [smem:$0x3FAE]  }
0x2a: {  	p0 =	seq.s32 s5, $0x0;
	s5 =	sld [smem:$0x3FAF]  }
0x2b: {  	s6 =	sld [smem:$0x3FB0]  }
0x2c: {  	s7 =	sld [smem:$0x3FB1]  }
0x2d: {  	s3 =	simm.s32 $0x108;
	s8 =	sld [smem:$0x3FB2]  }
0x2e: {  	s3 =	simm.s32 @!p0 $0x1082;
	s9 =	sld [smem:$0x3FB3]  }
0x2f: {  	lr =	sadd.s32 s0, s3;
	s0 =	sld [smem:$0x3FAA]  }
0x30: {  	s3 =	sld [smem:$0x3FAD]  }
0x31: {  	[smem:$0x3FB6] =	sst s10  }
0x32: {  	s10 =	sld [smem:$0x3FB4];
	_ =	sdelay $0x3  }
0x33: {  	p0 =	seq.s32 s10, $0x1;
	s10 =	sld [smem:$0x3FB6];
	_ =	sdelay $0x3  }
0x34: {  	[smem:$0x3FB6] =	sst s10  }
0x35: {  	s10 =	sld [smem:$0x3FB5];
	_ =	sdelay $0x3  }
0x36: {  	p1 =	seq.s32 s10, $0x1;
	s10 =	sld [smem:$0x3FB6];
	_ =	sdelay $0x3  }
0x37: {  	[smem:$0x3FB6] =	sst s10  }
0x38: {  	s10 =	sld [smem:$0x3FB7]  }
0x39: {  	_ = 	snop;
	(pc) =	sbr.ind lr, $3  }
0x3a: {  	_ = 	snop  }
0x3b: {  	_ = 	snop  }
0x3c: {  	p2 =	seq.s32 s10, $0x1;
	s10 =	sld [smem:$0x3FB6]  }
0x3d: {  	_ =	shalt  }
0x3e: {  	_ =	shalt  }
0x3f: {  	_ =	shalt  }
0x40: {  	_ =	shalt  }
0x41: {  	_ =	shalt  }
0x42: {  	_ =	shalt  }
0x43: {  	_ =	shalt  }
0x44: {  	_ =	shalt  }
0x45: {  	_ =	shalt  }
0x46: {  	_ =	shalt  }
0x47: {  	_ =	shalt  }
0x48: {  	_ =	shalt  }
0x49: {  	_ =	shalt  }
0x4a: {  	_ =	shalt  }
0x4b: {  	_ =	shalt  }
0x4c: {  	_ =	shalt  }
0x4d: {  	_ =	shalt  }
0x4e: {  	_ =	shalt  }
0x4f: {  	_ =	shalt  }
0x50: {  	_ =	shalt  }
0x51: {  	_ =	shalt  }
0x52: {  	_ =	shalt  }
0x53: {  	_ =	shalt  }
0x54: {  	_ =	shalt  }
0x55: {  	_ =	shalt  }
0x56: {  	_ =	shalt  }
0x57: {  	_ =	shalt  }
0x58: {  	_ =	shalt  }
0x59: {  	_ =	shalt  }
0x5a: {  	_ =	shalt  }
0x5b: {  	_ =	shalt  }
0x5c: {  	_ =	shalt  }
0x5d: {  	_ =	shalt  }
0x5e: {  	_ =	shalt  }
0x5f: {  	_ =	shalt  }
0x60: {  	_ =	shalt  }
0x61: {  	_ =	shalt  }
0x62: {  	_ =	shalt  }
0x63: {  	_ =	shalt  }
0x64: {  	_ =	shalt  }
0x65: {  	_ =	shalt  }
0x66: {  	_ =	shalt  }
0x67: {  	_ =	shalt  }
0x68: {  	_ =	shalt  }
0x69: {  	_ =	shalt  }
0x6a: {  	_ =	shalt  }
0x6b: {  	_ =	shalt  }
0x6c: {  	_ =	shalt  }
0x6d: {  	_ =	shalt  }
0x6e: {  	_ =	shalt  }
0x6f: {  	_ =	shalt  }
0x70: {  	_ =	shalt  }
0x71: {  	_ =	shalt  }
0x72: {  	_ =	shalt  }
0x73: {  	_ =	shalt  }
0x74: {  	_ =	shalt  }
0x75: {  	_ =	shalt  }
0x76: {  	_ =	shalt  }
0x77: {  	_ =	shalt  }
0x78: {  	_ =	shalt  }
0x79: {  	_ =	shalt  }
0x7a: {  	_ =	shalt  }
0x7b: {  	_ =	shalt  }
0x7c: {  	_ =	shalt  }
0x7d: {  	_ =	shalt  }
0x7e: {  	_ =	shalt  }
0x7f: {  	_ =	shalt  }
0x80: {  	_ =	shalt  }
0x81: {  	_ =	shalt  }
0x82: {  	_ =	shalt  }
0x83: {  	_ =	shalt  }
0x84: {  	_ =	shalt  }
0x85: {  	_ =	shalt  }
0x86: {  	_ =	shalt  }
0x87: {  	_ =	shalt  }
.Lfunc_end0:
.L_simem_size_0:
called_computation.1_lowered:
.L_overlay_start_0:
0x88: {  	s2 =	sld [smem:$0x3FD9]  }
0x89: {  	s3 =	sld [smem:$0x3FFE];
	_ =	sdelay $0x1  }
0x8a: {  	s1 =	srdreg.scid  }
0x8b: {  	s0 =	sand.u32 $0x1, s1  }
0x8c: {  	s16 =	sshll.u32 s0, $0xA;
	s2 =	sadd.s32 s3, s2  }
0x8d: {  	s2 =	sadd.s32 s2, s16  }
0x8e: {  	[smem:$0x3FC2] =	sst s2  }
0x8f: {  	_ = 	snop  }
0x90: {  	(tm) =	ssettm $0x1  }
0x91: {  	s17 =	sld [smem:$0x3FFB];
	_ =	sdelay $0x3  }
0x92: {  	_ =	strace s17  }
0x93: {  	s2 =	sld [smem:$0x3FFC];
	_ =	sdelay $0x3  }
0x94: {  	_ =	strace s2  }
0x95: {  	s2 =	sld [smem:$0x3FFD];
	_ =	sdelay $0x3  }
0x96: {  	_ =	strace s2  }
0x97: {  	_ =	strace $0x8FFFFFFF  }
0x98: {  	s18 =	sld [smem:$0x3FDB];
	_ =	sdelay $0x1  }
0x99: {  	s19 =	simm.s32 $_scs_section_size  }
0x9a: {  	s4 =	simm.s32 $_size__tile_overlayer_lowered;
	s5 =	simm.s32 $_tile_overlayer_lowered  }
0x9b: {  	s22 =	simm.s32 $0x1BFF;
	s21 =	sshll.u32 s5, $0x1;
	s2 =	sadd.s32 s19, s18  }
0x9c: {  	s6 =	simm.s32 $0x0;
	s20 =	sshll.u32 s4, $0x1;
	s4 =	sadd.s32 s21, s2  }
0x9d: {  	[timem:s6], [sflag:s22] =	dma.local [hbm:s4], s20  }
0x9e: {  	_ =	swait.ge [sflag:s22], s20  }
0x9f: {  	s3 =	ssub.s32 $0x0, s20;
	[sflag:s22] =	ssyncset.done $0x0  }
0xa0: {  	[sflag:s22] =	ssyncadd.s32 s3;
	_ =	sdelay $0x1  }
0xa1: {  	s23 =	simm.s32 $0x1B8B  }
0xa2: {  	_ =	swait.ge [sflag:s23], $0x1  }
0xa3: {  	[sflag:s23] =	ssyncset.done $0x0  }
0xa4: {  	s25 =	simm.s32 $0x1B8E;
	s24 =	sld [smem:$0x3FFE];
	[sflag:s23] =	ssyncadd.s32 $0xFFFFFFFF  }
0xa5: {  	s26 =	simm.s32 $execute0_lowered;
	[smem:$0x3FD2] =	sst s25  }
0xa6: {  	s4 =	sshll.u32 s26, $0x1;
	_ =	strace $0x80000049;
	[dreg:$0x1] =	wrdreg $0xFFFFFFFF  }
0xa7: {  	s28 =	simm.s32 $_size_execute0_lowered;
	s2 =	sadd.s32 s2, s4;
	[dreg:$0x0] =	wrdreg $0x0  }
0xa8: {  	s4 =	sshll.u32 s28, $0x1;
	[dreg:$0x2] =	wrdreg s2  }
0xa9: {  	[dreg:$0x3] =	wrdreg s4  }
0xaa: {  	[dreg:$0x4] =	wrdreg $0xC0  }
0xab: {  	_ =	task [dreg:s6], $0x5FFFF  }
0xac: {  	[dreg:$0x1] =	wrdreg $0xFFFFFFFF  }
0xad: {  	[dreg:$0x0] =	wrdreg $0x60  }
0xae: {  	[dreg:$0x2] =	wrdreg s24  }
0xaf: {  	[dreg:$0x3] =	wrdreg $0x98000  }
0xb0: {  	[dreg:$0x4] =	wrdreg $0x9  }
0xb1: {  	_ =	task.clear_ibuf [dreg:s6], $0x5FFFF;
	_ =	strace $0x90000049  }
0xb2: {  	s29 =	simm.s32 $0x9;
	_ =	strace $0x8000004B  }
0xb3: {  	_ =	swait.ge [sflag:s29], $0x1  }
0xb4: {  	[sflag:s29] =	ssyncadd.s32 $0xFFFFFFFF  }
0xb5: {  	_ =	strace $0x9000004B  }
0xb6: {  	_ =	sfence  }
0xb7: {  	s30 =	sld [smem:$0x0];
	_ =	sdelay $0x2  }
0xb8: {  	s31 =	sshll.u32 s1, $0xD;
	s1 =	sshrl.u32 s1, $0x2  }
0xb9: {  	s3 =	sand.u32 $0x4000, s31;
	s1 =	sadd.s32 s1, s30  }
0xba: {  	s0 =	sor.u32 s3, s0;
	s1 =	sshll.u32 s1, $0x11  }
0xbb: {  	s0 =	sor.u32 s1, s0  }
0xbc: {  	s0 =	sadd.s32 $0x8F2B, s0  }
0xbd: {  	[sflag:s0] =	ssyncadd.remote.s32 $0x1  }
0xbe: {  	_ =	sfence.sel $0xFFFF  }
0xbf: {  	[dreg:$0x0] =	wrdreg $0xFFFFFFFF;
	(pc) =	sbr.abs _section_cstart, $3  }
0xc0: {  	[dreg:$0x1] =	wrdreg $0xFFFFFFFF  }
0xc1: {  	_ =	task.clear_ibuf [dreg:s6], $0x2FFFF;
	_ =	strace $0x9FFFFFFF  }
0xc2: {  	(tm) =	ssettm $0x7FFFFFFF  }
0xc3: {  	_ =	shalt  }
tec
execute0_lowered:
.L_overlay_start_1:
0x0: {  	(tag) =	ssettag $0x1  }
0x1: {  	s10 =	stileid.u32;
	s1 =	srdreg.scid  }
0x2: {  	s0 =	rddreg [dreg:$0x0];
	s1 =	sand.u32 $0x1, s1;
	s5 =	smul.u32 $0x4E000, s10  }
0x3: {  	s2 =	rddreg [dreg:$0x1];
	s7 =	ssub.s32 $0x2, s1  }
0x4: {  	s3 =	simm.s32 $0x0;
	s9 =	sshrl.u32 s7, $0x1;
	s5 =	sshrl.u32 s5, $0x2  }
0x5: {  	[smem:$0x7FF] =	sst s3;
	s7 =	ssub.s32 s7, s9;
	s28 =	sadd.s32 s5, s2  }
0x6: {  	_ =	strace $0x8000004A;
	s22 =	smax.u32 s7, $0x1;
	[dreg:$0x3] =	wrdreg s28  }
0x7: {  	s23 =	sadd.s32 $0x1000, s28;
	[dreg:$0x4] =	wrdreg s22  }
0x8: {  	s4 =	sadd.s32 $0x12400, s0;
	s24 =	sadd.s32 $0x2000, s28;
	[dreg:$0x5] =	wrdreg s23  }
0x9: {  	s6 =	smul.u32 $0x500, s10;
	s25 =	sadd.s32 $0x3000, s28;
	[dreg:$0x6] =	wrdreg s24  }
0xa: {  	s8 =	smul.u32 $0x27100, s1;
	s26 =	sadd.s32 $0x4000, s28;
	[dreg:$0x7] =	wrdreg s25  }
0xb: {  	s6 =	sadd.s32 s6, s0;
	s7 =	sadd.s32 $0x5000, s28;
	[dreg:$0x8] =	wrdreg s26  }
0xc: {  	s0 =	sadd.s32 s8, s0;
	s8 =	sadd.s32 $0x6000, s28;
	[dreg:$0x9] =	wrdreg s7  }
0xd: {  	s30 =	simm.s32 $0x8800;
	s9 =	sadd.s32 $0x7000, s28;
	[dreg:$0xa] =	wrdreg s8  }
0xe: {  	s31 =	simm.s32 $0x3;
	s11 =	sadd.s32 $0x8000, s28;
	[dreg:$0xb] =	wrdreg s9  }
0xf: {  	s29 =	simm.s32 $0x0;
	s12 =	sadd.s32 $0x9000, s28;
	[dreg:$0xc] =	wrdreg s11  }
0x10: {  	s15 =	smul.u32 $0x2700, s10;
	s13 =	sadd.s32 $0xA000, s28;
	[dreg:$0xd] =	wrdreg s12  }
0x11: {  	s1 =	smul.u32 $0xA000, s1;
	s14 =	sadd.s32 $0xB000, s28;
	[dreg:$0xe] =	wrdreg s13  }
0x12: {  	s10 =	simm.s32 $0x80;
	s16 =	sadd.s32 $0xC000, s28;
	[dreg:$0xf] =	wrdreg s14  }
0x13: {  	s1 =	sadd.s32 s1, s6;
	s17 =	sadd.s32 $0xD000, s28;
	[dreg:$0x10] =	wrdreg s16  }
0x14: {  	s18 =	sadd.s32 $0xE000, s28;
	s19 =	sadd.s32 $0xF000, s28;
	[dreg:$0x11] =	wrdreg s17  }
0x15: {  	s0 =	sadd.s32 s15, s0;
	s20 =	sadd.s32 $0x10000, s28;
	[dreg:$0x12] =	wrdreg s18  }
0x16: {  	s21 =	sadd.s32 $0x11000, s28;
	s15 =	simm.s32 $0x200;
	[dreg:$0x13] =	wrdreg s19  }
0x17: {  	[dreg:$0x14] =	wrdreg s20;
	s23 =	sadd.s32 $0x8400, s6;
	s24 =	sadd.s32 $0x3400, s1  }
0x18: {  	s25 =	sadd.s32 $0x60600, s0;
	[dreg:$0x15] =	wrdreg s21;
	s22 =	sadd.s32 $0x12000, s28  }
0x19: {  	s26 =	sadd.s32 $0x13000, s28;
	s0 =	simm.s32 $0x400;
	s1 =	simm.s32 $0x7D  }
0x1a: {  	s6 =	simm.s32 $0x800;
	s8 =	simm.s32 $0x4800;
	s9 =	simm.s32 $0x1  }
0x1b: {  	s7 =	simm.s32 $0x100;
	s11 =	simm.s32 $0x2;
	s12 =	simm.s32 $0x480  }
0x1c: {  	s13 =	simm.s32 $0x180;
	s14 =	simm.s32 $0x500;
	s16 =	simm.s32 $0x580  }
0x1d: {  	s17 =	simm.s32 $0x280;
	s18 =	simm.s32 $0x600;
	s19 =	simm.s32 $0x300  }
0x1e: {  	s20 =	simm.s32 $0x680;
	s21 =	simm.s32 $0x380;
	[dreg:$0x16] =	wrdreg s22  }
0x1f: {  	v0 =	vimm.f32 $0.0e+00;
	[dreg:$0x17] =	wrdreg s26;
	s22 =	simm.s32 $0x700;
	s26 =	simm.s32 $0x780  }
.LBB2_1:
0x20: {  	[dreg:$0x18] =	wrdreg s29;
	s5 =	simm.s32 $0x0;
	s29 =	simm.s32 $0x200  }
.LBB2_2:
0x21: {  	p0 =	sne.s32 s29, $0x3E00;
	[tilespmem:s5+$0x8870] =	vst v0  }
0x22: {  	[tilespmem:s5+$0x8800] =	vst v0  }
0x23: {  	[tilespmem:s5+$0x8810] =	vst v0  }
.Ltmp0:
0x24: {  	[tilespmem:s5+$0x8820] =	vst v0;
	(pc) =	sbr.rel @p0 .LBB2_2-.Ltmp0, $4  }
0x25: {  	[tilespmem:s5+$0x8830] =	vst v0  }
0x26: {  	[tilespmem:s5+$0x8840] =	vst v0  }
0x27: {  	[tilespmem:s5+$0x8850] =	vst v0  }
0x28: {  	[tilespmem:s5+$0x8860] =	vst v0;
	s5 =	sshra.s32 s29, $0x2;
	s29 =	sadd.s32 $0x200, s29  }
0x29: {  	[tilespmem:s5+$0x8870] =	vst v0  }
0x2a: {  	[tilespmem:s5+$0x8800] =	vst v0  }
0x2b: {  	[tilespmem:s5+$0x8810] =	vst v0  }
0x2c: {  	[tilespmem:s5+$0x8820] =	vst v0  }
0x2d: {  	[tilespmem:s5+$0x8830] =	vst v0  }
0x2e: {  	[tilespmem:s5+$0x8840] =	vst v0  }
0x2f: {  	[tilespmem:s5+$0x8850] =	vst v0  }
0x30: {  	[tilespmem:s5+$0x8860] =	vst v0  }
0x31: {  	[spmem:s28] =	stream.linear.scatter [tilespmem:s30], [sflag:$0x3], $0x1000, $0x38;
	[tilespmem:$0x1D080] =	vst v63  }
0x32: {  	_ =	swait.ge [sflag:s31], $0x1000  }
0x33: {  	[sflag:s31] =	ssyncset.done $0x0  }
0x34: {  	s28 =	rddreg [dreg:$0x5];
	[sflag:s31] =	ssyncadd.s32 $0xFFFFF000  }
0x35: {  	[spmem:s28] =	stream.linear.scatter [tilespmem:s30], [sflag:$0x3], $0x1000, $0x38;
	[tilespmem:$0x1D080] =	vst v63  }
0x36: {  	_ =	swait.ge [sflag:s31], $0x1000  }
0x37: {  	[sflag:s31] =	ssyncset.done $0x0  }
0x38: {  	s28 =	rddreg [dreg:$0x6];
	[sflag:s31] =	ssyncadd.s32 $0xFFFFF000  }
0x39: {  	[spmem:s28] =	stream.linear.scatter [tilespmem:s30], [sflag:$0x3], $0x1000, $0x38;
	[tilespmem:$0x1D080] =	vst v63  }
0x3a: {  	_ =	swait.ge [sflag:s31], $0x1000  }
0x3b: {  	[sflag:s31] =	ssyncset.done $0x0  }
0x3c: {  	s28 =	rddreg [dreg:$0x7];
	[sflag:s31] =	ssyncadd.s32 $0xFFFFF000  }
0x3d: {  	[spmem:s28] =	stream.linear.scatter [tilespmem:s30], [sflag:$0x3], $0x1000, $0x38;
	[tilespmem:$0x1D080] =	vst v63  }
0x3e: {  	_ =	swait.ge [sflag:s31], $0x1000  }
0x3f: {  	[sflag:s31] =	ssyncset.done $0x0  }
0x40: {  	s28 =	rddreg [dreg:$0x8];
	[sflag:s31] =	ssyncadd.s32 $0xFFFFF000  }
0x41: {  	[spmem:s28] =	stream.linear.scatter [tilespmem:s30], [sflag:$0x3], $0x1000, $0x38;
	[tilespmem:$0x1D080] =	vst v63  }
0x42: {  	_ =	swait.ge [sflag:s31], $0x1000  }
0x43: {  	[sflag:s31] =	ssyncset.done $0x0  }
0x44: {  	s28 =	rddreg [dreg:$0x9];
	[sflag:s31] =	ssyncadd.s32 $0xFFFFF000  }
0x45: {  	[spmem:s28] =	stream.linear.scatter [tilespmem:s30], [sflag:$0x3], $0x1000, $0x38;
	[tilespmem:$0x1D080] =	vst v63  }
0x46: {  	_ =	swait.ge [sflag:s31], $0x1000  }
0x47: {  	[sflag:s31] =	ssyncset.done $0x0  }
0x48: {  	s28 =	rddreg [dreg:$0xa];
	[sflag:s31] =	ssyncadd.s32 $0xFFFFF000  }
0x49: {  	[spmem:s28] =	stream.linear.scatter [tilespmem:s30], [sflag:$0x3], $0x1000, $0x38;
	[tilespmem:$0x1D080] =	vst v63  }
0x4a: {  	_ =	swait.ge [sflag:s31], $0x1000  }
0x4b: {  	[sflag:s31] =	ssyncset.done $0x0  }
0x4c: {  	s28 =	rddreg [dreg:$0xb];
	[sflag:s31] =	ssyncadd.s32 $0xFFFFF000  }
0x4d: {  	[spmem:s28] =	stream.linear.scatter [tilespmem:s30], [sflag:$0x3], $0x1000, $0x38;
	[tilespmem:$0x1D080] =	vst v63  }
0x4e: {  	_ =	swait.ge [sflag:s31], $0x1000  }
0x4f: {  	[sflag:s31] =	ssyncset.done $0x0  }
0x50: {  	s28 =	rddreg [dreg:$0xc];
	[sflag:s31] =	ssyncadd.s32 $0xFFFFF000  }
0x51: {  	[spmem:s28] =	stream.linear.scatter [tilespmem:s30], [sflag:$0x3], $0x1000, $0x38;
	[tilespmem:$0x1D080] =	vst v63  }
0x52: {  	_ =	swait.ge [sflag:s31], $0x1000  }
0x53: {  	[sflag:s31] =	ssyncset.done $0x0  }
0x54: {  	s28 =	rddreg [dreg:$0xd];
	[sflag:s31] =	ssyncadd.s32 $0xFFFFF000  }
0x55: {  	[spmem:s28] =	stream.linear.scatter [tilespmem:s30], [sflag:$0x3], $0x1000, $0x38;
	[tilespmem:$0x1D080] =	vst v63  }
0x56: {  	_ =	swait.ge [sflag:s31], $0x1000  }
0x57: {  	[sflag:s31] =	ssyncset.done $0x0  }
0x58: {  	s28 =	rddreg [dreg:$0xe];
	[sflag:s31] =	ssyncadd.s32 $0xFFFFF000  }
0x59: {  	[spmem:s28] =	stream.linear.scatter [tilespmem:s30], [sflag:$0x3], $0x1000, $0x38;
	[tilespmem:$0x1D080] =	vst v63  }
0x5a: {  	_ =	swait.ge [sflag:s31], $0x1000  }
0x5b: {  	[sflag:s31] =	ssyncset.done $0x0  }
0x5c: {  	s28 =	rddreg [dreg:$0xf];
	[sflag:s31] =	ssyncadd.s32 $0xFFFFF000  }
0x5d: {  	[spmem:s28] =	stream.linear.scatter [tilespmem:s30], [sflag:$0x3], $0x1000, $0x38;
	[tilespmem:$0x1D080] =	vst v63  }
0x5e: {  	_ =	swait.ge [sflag:s31], $0x1000  }
0x5f: {  	[sflag:s31] =	ssyncset.done $0x0  }
0x60: {  	s28 =	rddreg [dreg:$0x10];
	[sflag:s31] =	ssyncadd.s32 $0xFFFFF000  }
0x61: {  	[spmem:s28] =	stream.linear.scatter [tilespmem:s30], [sflag:$0x3], $0x1000, $0x38;
	[tilespmem:$0x1D080] =	vst v63  }
0x62: {  	_ =	swait.ge [sflag:s31], $0x1000  }
0x63: {  	[sflag:s31] =	ssyncset.done $0x0  }
0x64: {  	s28 =	rddreg [dreg:$0x11];
	[sflag:s31] =	ssyncadd.s32 $0xFFFFF000  }
0x65: {  	[spmem:s28] =	stream.linear.scatter [tilespmem:s30], [sflag:$0x3], $0x1000, $0x38;
	[tilespmem:$0x1D080] =	vst v63  }
0x66: {  	_ =	swait.ge [sflag:s31], $0x1000  }
0x67: {  	[sflag:s31] =	ssyncset.done $0x0  }
0x68: {  	s28 =	rddreg [dreg:$0x12];
	[sflag:s31] =	ssyncadd.s32 $0xFFFFF000  }
0x69: {  	[spmem:s28] =	stream.linear.scatter [tilespmem:s30], [sflag:$0x3], $0x1000, $0x38;
	[tilespmem:$0x1D080] =	vst v63  }
0x6a: {  	_ =	swait.ge [sflag:s31], $0x1000  }
0x6b: {  	[sflag:s31] =	ssyncset.done $0x0  }
0x6c: {  	s28 =	rddreg [dreg:$0x13];
	[sflag:s31] =	ssyncadd.s32 $0xFFFFF000  }
0x6d: {  	[spmem:s28] =	stream.linear.scatter [tilespmem:s30], [sflag:$0x3], $0x1000, $0x38;
	[tilespmem:$0x1D080] =	vst v63  }
0x6e: {  	_ =	swait.ge [sflag:s31], $0x1000  }
0x6f: {  	[sflag:s31] =	ssyncset.done $0x0  }
0x70: {  	s28 =	rddreg [dreg:$0x14];
	[sflag:s31] =	ssyncadd.s32 $0xFFFFF000  }
0x71: {  	[spmem:s28] =	stream.linear.scatter [tilespmem:s30], [sflag:$0x3], $0x1000, $0x38;
	[tilespmem:$0x1D080] =	vst v63  }
0x72: {  	_ =	swait.ge [sflag:s31], $0x1000  }
0x73: {  	[sflag:s31] =	ssyncset.done $0x0  }
0x74: {  	s28 =	rddreg [dreg:$0x15];
	[sflag:s31] =	ssyncadd.s32 $0xFFFFF000  }
0x75: {  	[spmem:s28] =	stream.linear.scatter [tilespmem:s30], [sflag:$0x3], $0x1000, $0x38;
	[tilespmem:$0x1D080] =	vst v63  }
0x76: {  	_ =	swait.ge [sflag:s31], $0x1000  }
0x77: {  	[sflag:s31] =	ssyncset.done $0x0  }
0x78: {  	s28 =	rddreg [dreg:$0x16];
	[sflag:s31] =	ssyncadd.s32 $0xFFFFF000  }
0x79: {  	[spmem:s28] =	stream.linear.scatter [tilespmem:s30], [sflag:$0x3], $0x1000, $0x38;
	[tilespmem:$0x1D080] =	vst v63  }
0x7a: {  	_ =	swait.ge [sflag:s31], $0x1000  }
0x7b: {  	[sflag:s31] =	ssyncset.done $0x0  }
0x7c: {  	s28 =	rddreg [dreg:$0x17];
	[sflag:s31] =	ssyncadd.s32 $0xFFFFF000  }
0x7d: {  	[spmem:s28] =	stream.linear.scatter [tilespmem:s30], [sflag:$0x3], $0x1000, $0x38;
	[tilespmem:$0x1D080] =	vst v63  }
0x7e: {  	_ =	swait.ge [sflag:s31], $0x1000  }
0x7f: {  	[sflag:s31] =	ssyncset.done $0x0  }
0x80: {  	[sflag:s31] =	ssyncadd.s32 $0xFFFFF000  }
0x81: {  	s28 =	sadd.s32 $0x0, s24;
	[bflag:$0x0] =	sbarrier.arrive $0xFFFF  }
0x82: {  	[tilespmem:s3], [sflag:$0x3] =	stream.linear.gather [hbm4b:s28+s3], $0x400, $0x38;
	[tilespmem:$0x1D080] =	vst v63  }
0x83: {  	_ =	swait.ge [sflag:s31], $0x400  }
0x84: {  	[sflag:s31] =	ssyncset.done $0x0  }
0x85: {  	s28 =	sadd.s32 $0x0, s23;
	[sflag:s31] =	ssyncadd.s32 $0xFFFFFC00  }
0x86: {  	[tilespmem:s0], [sflag:$0x3] =	stream.linear.gather [hbm4b:s28+s3], $0x400, $0x38;
	[tilespmem:$0x1D080] =	vst v63  }
0x87: {  	_ =	swait.ge [sflag:s31], $0x400  }
0x88: {  	[sflag:s31] =	ssyncset.done $0x0  }
0x89: {  	[sflag:s31] =	ssyncadd.s32 $0xFFFFFC00  }
0x8a: {  	[tilespmem:s6], [sflag:$0x1] =	stream.indirect.gather [hbm4b:s4+s1], $0x80, s3, s1, $0xb8;
	[tilespmem:$0x1D080] =	vst v63  }
0x8b: {  	_ = 	snop  }
0x8c: {  	[tilespmem:s8], [sflag:$0x2] =	stream.indirect.gather [hbm4b:s4+s1], $0x80, s10, s1, $0xb8;
	[tilespmem:$0x1D080] =	vst v63  }
0x8d: {  	_ =	swait.ge [sflag:s9], $0x3E80  }
0x8e: {  	[sflag:s9] =	ssyncset.done $0x0  }
0x8f: {  	[sflag:s9] =	ssyncadd.s32 $0xFFFFC180  }
0x90: {  	[spmem:s2] =	stream.indirect.scatter.add.f32 [tilespmem:s6], [sflag:$0x3], $0x80, s0, s1, $0xb8;
	[tilespmem:$0x1D080] =	vst v63  }
0x91: {  	_ =	swait.ge [sflag:s31], $0x3E80  }
0x92: {  	[sflag:s31] =	ssyncset.done $0x0  }
0x93: {  	[sflag:s31] =	ssyncadd.s32 $0xFFFFC180  }
0x94: {  	[tilespmem:s6], [sflag:$0x1] =	stream.indirect.gather [hbm4b:s4+s1], $0x80, s7, s1, $0xb8;
	[tilespmem:$0x1D080] =	vst v63  }
0x95: {  	_ =	swait.ge [sflag:s11], $0x3E80  }
0x96: {  	[sflag:s11] =	ssyncset.done $0x0  }
0x97: {  	[sflag:s11] =	ssyncadd.s32 $0xFFFFC180  }
0x98: {  	[spmem:s2] =	stream.indirect.scatter.add.f32 [tilespmem:s8], [sflag:$0x3], $0x80, s12, s1, $0xb8;
	[tilespmem:$0x1D080] =	vst v63  }
0x99: {  	_ =	swait.ge [sflag:s31], $0x3E80  }
0x9a: {  	[sflag:s31] =	ssyncset.done $0x0  }
0x9b: {  	[sflag:s31] =	ssyncadd.s32 $0xFFFFC180  }
0x9c: {  	[tilespmem:s8], [sflag:$0x2] =	stream.indirect.gather [hbm4b:s4+s1], $0x80, s13, s1, $0xb8;
	[tilespmem:$0x1D080] =	vst v63  }
0x9d: {  	_ =	swait.ge [sflag:s9], $0x3E80  }
0x9e: {  	[sflag:s9] =	ssyncset.done $0x0  }
0x9f: {  	[sflag:s9] =	ssyncadd.s32 $0xFFFFC180  }
0xa0: {  	[spmem:s2] =	stream.indirect.scatter.add.f32 [tilespmem:s6], [sflag:$0x3], $0x80, s14, s1, $0xb8;
	[tilespmem:$0x1D080] =	vst v63  }
0xa1: {  	_ =	swait.ge [sflag:s31], $0x3E80  }
0xa2: {  	[sflag:s31] =	ssyncset.done $0x0  }
0xa3: {  	[sflag:s31] =	ssyncadd.s32 $0xFFFFC180  }
0xa4: {  	[tilespmem:s6], [sflag:$0x1] =	stream.indirect.gather [hbm4b:s4+s1], $0x80, s15, s1, $0xb8;
	[tilespmem:$0x1D080] =	vst v63  }
0xa5: {  	_ =	swait.ge [sflag:s11], $0x3E80  }
0xa6: {  	[sflag:s11] =	ssyncset.done $0x0  }
0xa7: {  	[sflag:s11] =	ssyncadd.s32 $0xFFFFC180  }
0xa8: {  	[spmem:s2] =	stream.indirect.scatter.add.f32 [tilespmem:s8], [sflag:$0x3], $0x80, s16, s1, $0xb8;
	[tilespmem:$0x1D080] =	vst v63  }
0xa9: {  	_ =	swait.ge [sflag:s31], $0x3E80  }
0xaa: {  	[sflag:s31] =	ssyncset.done $0x0  }
0xab: {  	[sflag:s31] =	ssyncadd.s32 $0xFFFFC180  }
0xac: {  	[tilespmem:s8], [sflag:$0x2] =	stream.indirect.gather [hbm4b:s4+s1], $0x80, s17, s1, $0xb8;
	[tilespmem:$0x1D080] =	vst v63  }
0xad: {  	_ =	swait.ge [sflag:s9], $0x3E80  }
0xae: {  	[sflag:s9] =	ssyncset.done $0x0  }
0xaf: {  	[sflag:s9] =	ssyncadd.s32 $0xFFFFC180  }
0xb0: {  	[spmem:s2] =	stream.indirect.scatter.add.f32 [tilespmem:s6], [sflag:$0x3], $0x80, s18, s1, $0xb8;
	[tilespmem:$0x1D080] =	vst v63  }
0xb1: {  	_ =	swait.ge [sflag:s31], $0x3E80  }
0xb2: {  	[sflag:s31] =	ssyncset.done $0x0  }
0xb3: {  	[sflag:s31] =	ssyncadd.s32 $0xFFFFC180  }
0xb4: {  	[tilespmem:s6], [sflag:$0x1] =	stream.indirect.gather [hbm4b:s4+s1], $0x80, s19, s1, $0xb8;
	[tilespmem:$0x1D080] =	vst v63  }
0xb5: {  	_ =	swait.ge [sflag:s11], $0x3E80  }
0xb6: {  	[sflag:s11] =	ssyncset.done $0x0  }
0xb7: {  	[sflag:s11] =	ssyncadd.s32 $0xFFFFC180  }
0xb8: {  	[spmem:s2] =	stream.indirect.scatter.add.f32 [tilespmem:s8], [sflag:$0x3], $0x80, s20, s1, $0xb8;
	[tilespmem:$0x1D080] =	vst v63  }
0xb9: {  	_ =	swait.ge [sflag:s31], $0x3E80  }
0xba: {  	[sflag:s31] =	ssyncset.done $0x0  }
0xbb: {  	[sflag:s31] =	ssyncadd.s32 $0xFFFFC180  }
0xbc: {  	[tilespmem:s8], [sflag:$0x2] =	stream.indirect.gather [hbm4b:s4+s1], $0x80, s21, s1, $0xb8;
	[tilespmem:$0x1D080] =	vst v63  }
0xbd: {  	_ =	swait.ge [sflag:s9], $0x3E80  }
0xbe: {  	[sflag:s9] =	ssyncset.done $0x0  }
0xbf: {  	[sflag:s9] =	ssyncadd.s32 $0xFFFFC180  }
0xc0: {  	[spmem:s2] =	stream.indirect.scatter.add.f32 [tilespmem:s6], [sflag:$0x3], $0x80, s22, s1, $0xb8;
	[tilespmem:$0x1D080] =	vst v63  }
0xc1: {  	_ =	swait.ge [sflag:s31], $0x3E80  }
0xc2: {  	[sflag:s31] =	ssyncset.done $0x0  }
0xc3: {  	[sflag:s31] =	ssyncadd.s32 $0xFFFFC180  }
0xc4: {  	_ =	swait.ge [sflag:s11], $0x3E80  }
0xc5: {  	[sflag:s11] =	ssyncset.done $0x0  }
0xc6: {  	[sflag:s11] =	ssyncadd.s32 $0xFFFFC180  }
0xc7: {  	[spmem:s2] =	stream.indirect.scatter.add.f32 [tilespmem:s8], [sflag:$0x3], $0x80, s26, s1, $0xb8;
	[tilespmem:$0x1D080] =	vst v63  }
0xc8: {  	_ =	swait.ge [sflag:s31], $0x3E80  }
0xc9: {  	s29 =	simm.s32 $0x80;
	s5 =	simm.s32 $0x100;
	[sflag:s31] =	ssyncset.done $0x0  }
.LBB2_4:
0xca: {  	s7 =	sadd.s32 s29, s24  }
0xcb: {  	[sflag:s31] =	ssyncadd.s32 $0xFFFFC180;
	s10 =	smov.u32 s5;
	s28 =	sadd.s32 $0x80, s5  }
0xcc: {  	[tilespmem:s3], [sflag:$0x3] =	stream.linear.gather [hbm4b:s7+s3], $0x400, $0x38;
	[tilespmem:$0x1D080] =	vst v63  }
0xcd: {  	s7 =	simm.s32 $0x100  }
0xce: {  	p0 =	sne.s32 s5, $0x480;
	_ =	swait.ge [sflag:s31], $0x400  }
0xcf: {  	s5 =	sadd.s32 s29, s23;
	[sflag:s31] =	ssyncset.done $0x0  }
0xd0: {  	s29 =	smov.u32 s10;
	s10 =	simm.s32 $0x80;
	[sflag:s31] =	ssyncadd.s32 $0xFFFFFC00  }
0xd1: {  	[tilespmem:s0], [sflag:$0x3] =	stream.linear.gather [hbm4b:s5+s3], $0x400, $0x38;
	[tilespmem:$0x1D080] =	vst v63  }
0xd2: {  	_ =	swait.ge [sflag:s31], $0x400  }
0xd3: {  	[sflag:s31] =	ssyncset.done $0x0  }
0xd4: {  	[sflag:s31] =	ssyncadd.s32 $0xFFFFFC00  }
0xd5: {  	[tilespmem:s6], [sflag:$0x1] =	stream.indirect.gather [hbm4b:s4+s1], $0x80, s3, s1, $0xb8;
	[tilespmem:$0x1D080] =	vst v63  }
0xd6: {  	_ = 	snop  }
0xd7: {  	[tilespmem:s8], [sflag:$0x2] =	stream.indirect.gather [hbm4b:s4+s1], $0x80, s10, s1, $0xb8;
	[tilespmem:$0x1D080] =	vst v63  }
0xd8: {  	_ =	swait.ge [sflag:s9], $0x3E80  }
0xd9: {  	[sflag:s9] =	ssyncset.done $0x0  }
0xda: {  	[sflag:s9] =	ssyncadd.s32 $0xFFFFC180  }
0xdb: {  	[spmem:s2] =	stream.indirect.scatter.add.f32 [tilespmem:s6], [sflag:$0x3], $0x80, s0, s1, $0xb8;
	[tilespmem:$0x1D080] =	vst v63  }
0xdc: {  	_ =	swait.ge [sflag:s31], $0x3E80  }
0xdd: {  	[sflag:s31] =	ssyncset.done $0x0  }
0xde: {  	[sflag:s31] =	ssyncadd.s32 $0xFFFFC180  }
0xdf: {  	[tilespmem:s6], [sflag:$0x1] =	stream.indirect.gather [hbm4b:s4+s1], $0x80, s7, s1, $0xb8;
	[tilespmem:$0x1D080] =	vst v63  }
0xe0: {  	_ =	swait.ge [sflag:s11], $0x3E80  }
0xe1: {  	[sflag:s11] =	ssyncset.done $0x0  }
0xe2: {  	[sflag:s11] =	ssyncadd.s32 $0xFFFFC180  }
0xe3: {  	[spmem:s2] =	stream.indirect.scatter.add.f32 [tilespmem:s8], [sflag:$0x3], $0x80, s12, s1, $0xb8;
	[tilespmem:$0x1D080] =	vst v63  }
0xe4: {  	_ =	swait.ge [sflag:s31], $0x3E80  }
0xe5: {  	[sflag:s31] =	ssyncset.done $0x0  }
0xe6: {  	[sflag:s31] =	ssyncadd.s32 $0xFFFFC180  }
0xe7: {  	[tilespmem:s8], [sflag:$0x2] =	stream.indirect.gather [hbm4b:s4+s1], $0x80, s13, s1, $0xb8;
	[tilespmem:$0x1D080] =	vst v63  }
0xe8: {  	_ =	swait.ge [sflag:s9], $0x3E80  }
0xe9: {  	[sflag:s9] =	ssyncset.done $0x0  }
0xea: {  	[sflag:s9] =	ssyncadd.s32 $0xFFFFC180  }
0xeb: {  	[spmem:s2] =	stream.indirect.scatter.add.f32 [tilespmem:s6], [sflag:$0x3], $0x80, s14, s1, $0xb8;
	[tilespmem:$0x1D080] =	vst v63  }
0xec: {  	_ =	swait.ge [sflag:s31], $0x3E80  }
0xed: {  	[sflag:s31] =	ssyncset.done $0x0  }
0xee: {  	[sflag:s31] =	ssyncadd.s32 $0xFFFFC180  }
0xef: {  	[tilespmem:s6], [sflag:$0x1] =	stream.indirect.gather [hbm4b:s4+s1], $0x80, s15, s1, $0xb8;
	[tilespmem:$0x1D080] =	vst v63  }
0xf0: {  	_ =	swait.ge [sflag:s11], $0x3E80  }
0xf1: {  	[sflag:s11] =	ssyncset.done $0x0  }
0xf2: {  	[sflag:s11] =	ssyncadd.s32 $0xFFFFC180  }
0xf3: {  	[spmem:s2] =	stream.indirect.scatter.add.f32 [tilespmem:s8], [sflag:$0x3], $0x80, s16, s1, $0xb8;
	[tilespmem:$0x1D080] =	vst v63  }
0xf4: {  	_ =	swait.ge [sflag:s31], $0x3E80  }
0xf5: {  	[sflag:s31] =	ssyncset.done $0x0  }
0xf6: {  	[sflag:s31] =	ssyncadd.s32 $0xFFFFC180  }
0xf7: {  	[tilespmem:s8], [sflag:$0x2] =	stream.indirect.gather [hbm4b:s4+s1], $0x80, s17, s1, $0xb8;
	[tilespmem:$0x1D080] =	vst v63  }
0xf8: {  	_ =	swait.ge [sflag:s9], $0x3E80  }
0xf9: {  	[sflag:s9] =	ssyncset.done $0x0  }
0xfa: {  	[sflag:s9] =	ssyncadd.s32 $0xFFFFC180  }
0xfb: {  	[spmem:s2] =	stream.indirect.scatter.add.f32 [tilespmem:s6], [sflag:$0x3], $0x80, s18, s1, $0xb8;
	[tilespmem:$0x1D080] =	vst v63  }
0xfc: {  	_ =	swait.ge [sflag:s31], $0x3E80  }
0xfd: {  	[sflag:s31] =	ssyncset.done $0x0  }
0xfe: {  	[sflag:s31] =	ssyncadd.s32 $0xFFFFC180  }
0xff: {  	[tilespmem:s6], [sflag:$0x1] =	stream.indirect.gather [hbm4b:s4+s1], $0x80, s19, s1, $0xb8;
	[tilespmem:$0x1D080] =	vst v63  }
0x100: {  	_ =	swait.ge [sflag:s11], $0x3E80  }
0x101: {  	[sflag:s11] =	ssyncset.done $0x0  }
0x102: {  	[sflag:s11] =	ssyncadd.s32 $0xFFFFC180  }
0x103: {  	[spmem:s2] =	stream.indirect.scatter.add.f32 [tilespmem:s8], [sflag:$0x3], $0x80, s20, s1, $0xb8;
	[tilespmem:$0x1D080] =	vst v63  }
0x104: {  	_ =	swait.ge [sflag:s31], $0x3E80  }
0x105: {  	[sflag:s31] =	ssyncset.done $0x0  }
0x106: {  	[sflag:s31] =	ssyncadd.s32 $0xFFFFC180  }
0x107: {  	[tilespmem:s8], [sflag:$0x2] =	stream.indirect.gather [hbm4b:s4+s1], $0x80, s21, s1, $0xb8;
	[tilespmem:$0x1D080] =	vst v63  }
0x108: {  	_ =	swait.ge [sflag:s9], $0x3E80  }
0x109: {  	[sflag:s9] =	ssyncset.done $0x0  }
0x10a: {  	[sflag:s9] =	ssyncadd.s32 $0xFFFFC180  }
0x10b: {  	[spmem:s2] =	stream.indirect.scatter.add.f32 [tilespmem:s6], [sflag:$0x3], $0x80, s22, s1, $0xb8;
	[tilespmem:$0x1D080] =	vst v63  }
0x10c: {  	_ =	swait.ge [sflag:s31], $0x3E80  }
0x10d: {  	[sflag:s31] =	ssyncset.done $0x0  }
0x10e: {  	[sflag:s31] =	ssyncadd.s32 $0xFFFFC180  }
0x10f: {  	_ =	swait.ge [sflag:s11], $0x3E80  }
.Ltmp1:
0x110: {  	[sflag:s11] =	ssyncset.done $0x0;
	(pc) =	sbr.rel @p0 .LBB2_4-.Ltmp1, $4  }
0x111: {  	[sflag:s11] =	ssyncadd.s32 $0xFFFFC180  }
0x112: {  	[spmem:s2] =	stream.indirect.scatter.add.f32 [tilespmem:s8], [sflag:$0x3], $0x80, s26, s1, $0xb8;
	[tilespmem:$0x1D080] =	vst v63  }
0x113: {  	_ =	swait.ge [sflag:s31], $0x3E80  }
0x114: {  	s5 =	smov.u32 s28;
	[sflag:s31] =	ssyncset.done $0x0  }
0x115: {  	s5 =	sadd.s32 s29, s24;
	[sflag:s31] =	ssyncadd.s32 $0xFFFFC180  }
0x116: {  	[tilespmem:s3], [sflag:$0x3] =	stream.linear.gather [hbm4b:s5+s3], $0x400, $0x38;
	[tilespmem:$0x1D080] =	vst v63  }
0x117: {  	_ =	swait.ge [sflag:s31], $0x400  }
0x118: {  	[sflag:s31] =	ssyncset.done $0x0  }
0x119: {  	s5 =	sadd.s32 s29, s23;
	[sflag:s31] =	ssyncadd.s32 $0xFFFFFC00  }
0x11a: {  	[tilespmem:s0], [sflag:$0x3] =	stream.linear.gather [hbm4b:s5+s3], $0x400, $0x38;
	[tilespmem:$0x1D080] =	vst v63  }
0x11b: {  	_ =	swait.ge [sflag:s31], $0x400  }
0x11c: {  	[sflag:s31] =	ssyncset.done $0x0  }
0x11d: {  	[sflag:s31] =	ssyncadd.s32 $0xFFFFFC00  }
0x11e: {  	[tilespmem:s6], [sflag:$0x1] =	stream.indirect.gather [hbm4b:s4+s1], $0x80, s3, s1, $0xb8;
	[tilespmem:$0x1D080] =	vst v63  }
0x11f: {  	_ = 	snop  }
0x120: {  	[tilespmem:s8], [sflag:$0x2] =	stream.indirect.gather [hbm4b:s4+s1], $0x80, s10, s1, $0xb8;
	[tilespmem:$0x1D080] =	vst v63  }
0x121: {  	_ =	swait.ge [sflag:s9], $0x3E80  }
0x122: {  	[sflag:s9] =	ssyncset.done $0x0  }
0x123: {  	[sflag:s9] =	ssyncadd.s32 $0xFFFFC180  }
0x124: {  	[spmem:s2] =	stream.indirect.scatter.add.f32 [tilespmem:s6], [sflag:$0x3], $0x80, s0, s1, $0xb8;
	[tilespmem:$0x1D080] =	vst v63  }
0x125: {  	_ =	swait.ge [sflag:s31], $0x3E80  }
0x126: {  	[sflag:s31] =	ssyncset.done $0x0  }
0x127: {  	[sflag:s31] =	ssyncadd.s32 $0xFFFFC180  }
0x128: {  	[tilespmem:s6], [sflag:$0x1] =	stream.indirect.gather [hbm4b:s4+s1], $0x80, s7, s1, $0xb8;
	[tilespmem:$0x1D080] =	vst v63  }
0x129: {  	_ =	swait.ge [sflag:s11], $0x3E80  }
0x12a: {  	[sflag:s11] =	ssyncset.done $0x0  }
0x12b: {  	[sflag:s11] =	ssyncadd.s32 $0xFFFFC180  }
0x12c: {  	[spmem:s2] =	stream.indirect.scatter.add.f32 [tilespmem:s8], [sflag:$0x3], $0x80, s12, s1, $0xb8;
	[tilespmem:$0x1D080] =	vst v63  }
0x12d: {  	_ =	swait.ge [sflag:s31], $0x3E80  }
0x12e: {  	[sflag:s31] =	ssyncset.done $0x0  }
0x12f: {  	[sflag:s31] =	ssyncadd.s32 $0xFFFFC180  }
0x130: {  	[tilespmem:s8], [sflag:$0x2] =	stream.indirect.gather [hbm4b:s4+s1], $0x80, s13, s1, $0xb8;
	[tilespmem:$0x1D080] =	vst v63  }
0x131: {  	_ =	swait.ge [sflag:s9], $0x3E80  }
0x132: {  	[sflag:s9] =	ssyncset.done $0x0  }
0x133: {  	[sflag:s9] =	ssyncadd.s32 $0xFFFFC180  }
0x134: {  	[spmem:s2] =	stream.indirect.scatter.add.f32 [tilespmem:s6], [sflag:$0x3], $0x80, s14, s1, $0xb8;
	[tilespmem:$0x1D080] =	vst v63  }
0x135: {  	_ =	swait.ge [sflag:s31], $0x3E80  }
0x136: {  	[sflag:s31] =	ssyncset.done $0x0  }
0x137: {  	[sflag:s31] =	ssyncadd.s32 $0xFFFFC180  }
0x138: {  	[tilespmem:s6], [sflag:$0x1] =	stream.indirect.gather [hbm4b:s4+s1], $0x80, s15, s1, $0xb8;
	[tilespmem:$0x1D080] =	vst v63  }
0x139: {  	_ =	swait.ge [sflag:s11], $0x3E80  }
0x13a: {  	[sflag:s11] =	ssyncset.done $0x0  }
0x13b: {  	[sflag:s11] =	ssyncadd.s32 $0xFFFFC180  }
0x13c: {  	[spmem:s2] =	stream.indirect.scatter.add.f32 [tilespmem:s8], [sflag:$0x3], $0x80, s16, s1, $0xb8;
	[tilespmem:$0x1D080] =	vst v63  }
0x13d: {  	_ =	swait.ge [sflag:s31], $0x3E80  }
0x13e: {  	[sflag:s31] =	ssyncset.done $0x0  }
0x13f: {  	[sflag:s31] =	ssyncadd.s32 $0xFFFFC180  }
0x140: {  	[tilespmem:s8], [sflag:$0x2] =	stream.indirect.gather [hbm4b:s4+s1], $0x80, s17, s1, $0xb8;
	[tilespmem:$0x1D080] =	vst v63  }
0x141: {  	_ =	swait.ge [sflag:s9], $0x3E80  }
0x142: {  	[sflag:s9] =	ssyncset.done $0x0  }
0x143: {  	[sflag:s9] =	ssyncadd.s32 $0xFFFFC180  }
0x144: {  	[spmem:s2] =	stream.indirect.scatter.add.f32 [tilespmem:s6], [sflag:$0x3], $0x80, s18, s1, $0xb8;
	[tilespmem:$0x1D080] =	vst v63  }
0x145: {  	_ =	swait.ge [sflag:s31], $0x3E80  }
0x146: {  	[sflag:s31] =	ssyncset.done $0x0  }
0x147: {  	[sflag:s31] =	ssyncadd.s32 $0xFFFFC180  }
0x148: {  	[tilespmem:s6], [sflag:$0x1] =	stream.indirect.gather [hbm4b:s4+s1], $0x80, s19, s1, $0xb8;
	[tilespmem:$0x1D080] =	vst v63  }
0x149: {  	_ =	swait.ge [sflag:s11], $0x3E80  }
0x14a: {  	[sflag:s11] =	ssyncset.done $0x0  }
0x14b: {  	[sflag:s11] =	ssyncadd.s32 $0xFFFFC180  }
0x14c: {  	[spmem:s2] =	stream.indirect.scatter.add.f32 [tilespmem:s8], [sflag:$0x3], $0x80, s20, s1, $0xb8;
	[tilespmem:$0x1D080] =	vst v63  }
0x14d: {  	_ =	swait.ge [sflag:s31], $0x3E80  }
0x14e: {  	[sflag:s31] =	ssyncset.done $0x0  }
0x14f: {  	[sflag:s31] =	ssyncadd.s32 $0xFFFFC180  }
0x150: {  	[tilespmem:s8], [sflag:$0x2] =	stream.indirect.gather [hbm4b:s4+s1], $0x80, s21, s1, $0xb8;
	[tilespmem:$0x1D080] =	vst v63  }
0x151: {  	_ =	swait.ge [sflag:s9], $0x3E80  }
0x152: {  	[sflag:s9] =	ssyncset.done $0x0  }
0x153: {  	[sflag:s9] =	ssyncadd.s32 $0xFFFFC180  }
0x154: {  	[spmem:s2] =	stream.indirect.scatter.add.f32 [tilespmem:s6], [sflag:$0x3], $0x80, s22, s1, $0xb8;
	[tilespmem:$0x1D080] =	vst v63  }
0x155: {  	_ =	swait.ge [sflag:s31], $0x3E80  }
0x156: {  	[sflag:s31] =	ssyncset.done $0x0  }
0x157: {  	[sflag:s31] =	ssyncadd.s32 $0xFFFFC180  }
0x158: {  	_ =	swait.ge [sflag:s11], $0x3E80  }
0x159: {  	[sflag:s11] =	ssyncset.done $0x0  }
0x15a: {  	[sflag:s11] =	ssyncadd.s32 $0xFFFFC180  }
0x15b: {  	[spmem:s2] =	stream.indirect.scatter.add.f32 [tilespmem:s8], [sflag:$0x3], $0x80, s26, s1, $0xb8;
	[tilespmem:$0x1D080] =	vst v63  }
0x15c: {  	_ =	swait.ge [sflag:s31], $0x3E80  }
0x15d: {  	[sflag:s31] =	ssyncset.done $0x0  }
0x15e: {  	[sflag:s31] =	ssyncadd.s32 $0xFFFFC180  }
0x15f: {  	[bflag:$0x0] =	sbarrier.arrive $0xFFFF  }
0x160: {  	s28 =	rddreg [dreg:$0x3]  }
0x161: {  	[tilespmem:s30], [sflag:$0x3] =	stream.linear.gather [spmem:s28], $0x1000, $0x38;
	[tilespmem:$0x1D080] =	vst v63  }
0x162: {  	_ =	swait.ge [sflag:s31], $0x1000  }
0x163: {  	[sflag:s31] =	ssyncset.done $0x0  }
0x164: {  	s7 =	sadd.s32 $0x0, s25;
	[sflag:s31] =	ssyncadd.s32 $0xFFFFF000  }
0x165: {  	[hbm4b:s7+s3] =	stream.linear.scatter [tilespmem:s30], [sflag:$0x3], $0x1000, $0x38;
	[tilespmem:$0x1D080] =	vst v63  }
0x166: {  	_ =	swait.ge [sflag:s31], $0x1000  }
0x167: {  	s5 =	simm.s32 $0x200;
	s29 =	smov.u32 s28;
	[sflag:s31] =	ssyncset.done $0x0  }
.LBB2_6:
0x168: {  	p0 =	sne.s32 s5, $0x2600;
	[sflag:s31] =	ssyncadd.s32 $0xFFFFF000;
	s29 =	sadd.s32 $0x1000, s29  }
0x169: {  	[tilespmem:s30], [sflag:$0x3] =	stream.linear.gather [spmem:s29], $0x1000, $0x38;
	[tilespmem:$0x1D080] =	vst v63  }
0x16a: {  	s7 =	smov.u32 s5;
	s5 =	sadd.s32 $0x200, s5;
	_ =	swait.ge [sflag:s31], $0x1000  }
.Ltmp2:
0x16b: {  	[sflag:s31] =	ssyncset.done $0x0;
	(pc) =	sbr.rel @p0 .LBB2_6-.Ltmp2, $4  }
0x16c: {  	s7 =	sadd.s32 s7, s25;
	[sflag:s31] =	ssyncadd.s32 $0xFFFFF000  }
0x16d: {  	[hbm4b:s7+s3] =	stream.linear.scatter [tilespmem:s30], [sflag:$0x3], $0x1000, $0x38;
	[tilespmem:$0x1D080] =	vst v63  }
0x16e: {  	_ =	swait.ge [sflag:s31], $0x1000  }
0x16f: {  	[sflag:s31] =	ssyncset.done $0x0  }
0x170: {  	s29 =	rddreg [dreg:$0x18]  }
0x171: {  	s5 =	rddreg [dreg:$0x4];
	s29 =	sadd.s32 $0x1, s29  }
0x172: {  	p0 =	sne.s32 s29, s5  }
.Ltmp3:
0x173: {  	_ = 	snop;
	(pc) =	sbr.rel @p0 .LBB2_1-.Ltmp3, $2  }
0x174: {  	_ =	sdelay $0x2  }
0x175: {  	[sflag:s31] =	ssyncadd.s32 $0xFFFFF000;
	s7 =	simm.s32 $0x100  }
0x176: {  	_ =	sfence.sel $0x180000  }
0x177: {  	[bflag:$0x0] =	sbarrier.arrive $0xFFFF  }
0x178: {  	_ =	strace $0x9000004A  }
0x179: {  	s0 =	stileid.u32;
	[bflag:$0x2] =	sbarrier.arrive $0xFFFF  }
0x17a: {  	p0 =	sne.s32 s0, $0x0;
	s0 =	rddreg [dreg:$0x2]  }
0x17b: {  	s0 =	sadd.s32 @!p0 $0x100000, s0  }
0x17c: {  	[sflag:s0] =	ssyncadd.tile.s32 @!p0 $0x1;
	_ =	shalt  }
.Lfunc_end2:
_tile_overlayer_lowered:
.L_overlay_start_2:
0x17d: {  	(tag) =	ssettag $0x2  }
0x17e: {  	s0 =	rddreg [dreg:$0x0];
	s2 =	stileid.u32  }
0x17f: {  	s1 =	rddreg [dreg:$0x1];
	p0 =	sne.s32 s2, $0x0  }
0x180: {  	s3 =	rddreg [dreg:$0x2];
	[bflag:$0x3] =	sbarrier.arrive $0xFFFF;
	s2 =	simm.s32 @!p0 $0x1C03  }
0x181: {  	[timem:s3], [sflag:s2] =	dma.local @!p0 [hbm:s0], s1  }
0x182: {  	s0 =	simm.s32 @!p0 $0x3  }
0x183: {  	_ =	swait.ge @!p0 [sflag:s0], s1  }
0x184: {  	s1 =	ssub.s32 @!p0 $0x0, s1;
	[sflag:s0] =	ssyncset.done @!p0 $0x0  }
0x185: {  	[sflag:s0] =	ssyncadd.s32 @!p0 s1  }
0x186: {  	[bflag:$0x3] =	sbarrier.arrive $0xFFFF  }
0x187: {  	_ =	shalt  }

// kernel: kernel.7.cloned.1.call-start
scs
__scs_entry_jumppad:
0x0: {  	(pc) =	sbr.rel $0x88, $3  }
0x1: {  	(tag) =	ssettag $0x0;
	lr =	simm.s32 $0x1  }
0x2: {  	[smem:$0x3F9B] =	sst lr;
	_ =	strace $0xD0000000  }
0x3: {  	_ = 	snop  }
0x4: {  	_ = 	snop  }
0x5: {  	_ = 	snop  }
0x6: {  	_ = 	snop  }
0x7: {  	_ = 	snop  }
__scs_overlays_trampoline_lowered:
0x8: {  	[smem:$0x3FAA] =	sst s0  }
0x9: {  	[smem:$0x3FAB] =	sst s1  }
0xa: {  	[smem:$0x3FAC] =	sst s2  }
0xb: {  	[smem:$0x3FAD] =	sst s3  }
0xc: {  	[smem:$0x3FAE] =	sst s4  }
0xd: {  	[smem:$0x3FAF] =	sst s5  }
0xe: {  	[smem:$0x3FB0] =	sst s6  }
0xf: {  	[smem:$0x3FB1] =	sst s7  }
0x10: {  	[smem:$0x3FB2] =	sst s8  }
0x11: {  	[smem:$0x3FB3] =	sst s9;
	s0 =	simm.s32 @!p0 $0x0  }
0x12: {  	s1 =	sld [smem:$0x3F99];
	s0 =	simm.s32 @p0 $0x1  }
0x13: {  	[smem:$0x3FB4] =	sst s0;
	s0 =	simm.s32 @!p1 $0x0  }
0x14: {  	s2 =	sld [smem:$0x3F98];
	s0 =	simm.s32 @p1 $0x1  }
0x15: {  	[smem:$0x3FB5] =	sst s0;
	s0 =	simm.s32 @!p2 $0x0  }
0x16: {  	s3 =	sld [smem:$0x3FDB];
	s0 =	simm.s32 @p2 $0x1  }
0x17: {  	s4 =	simm.s32 $0x1BF5;
	[smem:$0x3FB7] =	sst s0  }
0x18: {  	s0 =	sld [smem:$0x3F9A];
	_ =	swait.ge [sflag:s4], $0x0  }
0x19: {  	s7 =	sld [smem:$0x3F9B]  }
0x1a: {  	s8 =	sadd.s32 $0xFFFFE003, lr  }
0x1b: {  	s9 =	sadd.s32 $0xFFFFFEF7, lr;
	s5 =	simm.s32 $0xFFFFFFFF;
	p2 =	slt.u32 s8, $0xFFFFF086  }
0x1c: {  	p1 =	slt.u32 s9, $0xF7A;
	s5 =	simm.s32 @!p2 $0x0  }
0x1d: {  	s5 =	simm.s32 @p1 $0x1;
	p0 =	seq.s32 s7, s2  }
0x1e: {  	s7 =	smul.u32 @!p0 $0xF7A, s2;
	p2 =	seq.s32 @!p0 s5, $0x0  }
0x1f: {  	s9 =	smul.u32 $0xF7A, s1;
	s8 =	simm.s32 @!p0 $0x1BF5;
	p2 =	por !p2, p0  }
0x20: {  	[sflag:s8] =	ssyncset.s32 @!p0 $0xFFFFF086;
	s6 =	sadd.s32 @!p0 s3, s7;
	s7 =	simm.s32 @!p0 $0x108  }
0x21: {  	s3 =	sadd.s32 s3, s9;
	s6 =	sadd.s32 @!p0 $0x88, s6;
	s7 =	simm.s32 @p2 $0x1082  }
0x22: {  	[simem:s7], [sflag:s8] =	dma.local @!p0 [hbm:s6], $0xF7A  }
0x23: {  	s9 =	sor.u32 $0xD0000000, s2;
	s6 =	simm.s32 $0x108;
	_ =	swait.ge @!p0 [sflag:s8], $0x0  }
0x24: {  	s3 =	sadd.s32 $0x88, s3;
	s6 =	simm.s32 @!p1 $0x1082;
	[sflag:s4] =	ssyncset.s32 $0xFFFFF086  }
0x25: {  	[simem:s6], [sflag:s4] =	dma.local [hbm:s3], $0xF7A  }
0x26: {  	[smem:$0x3F9B] =	sst s1;
	(tag) =	ssettag s2;
	_ =	strace s9  }
0x27: {  	s1 =	sld [smem:$0x3FAB]  }
0x28: {  	s2 =	sld [smem:$0x3FAC]  }
0x29: {  	s4 =	sld [smem:$0x3FAE]  }
0x2a: {  	p0 =	seq.s32 s5, $0x0;
	s5 =	sld [smem:$0x3FAF]  }
0x2b: {  	s6 =	sld [smem:$0x3FB0]  }
0x2c: {  	s7 =	sld [smem:$0x3FB1]  }
0x2d: {  	s3 =	simm.s32 $0x108;
	s8 =	sld [smem:$0x3FB2]  }
0x2e: {  	s3 =	simm.s32 @!p0 $0x1082;
	s9 =	sld [smem:$0x3FB3]  }
0x2f: {  	lr =	sadd.s32 s0, s3;
	s0 =	sld [smem:$0x3FAA]  }
0x30: {  	s3 =	sld [smem:$0x3FAD]  }
0x31: {  	[smem:$0x3FB6] =	sst s10  }
0x32: {  	s10 =	sld [smem:$0x3FB4];
	_ =	sdelay $0x3  }
0x33: {  	p0 =	seq.s32 s10, $0x1;
	s10 =	sld [smem:$0x3FB6];
	_ =	sdelay $0x3  }
0x34: {  	[smem:$0x3FB6] =	sst s10  }
0x35: {  	s10 =	sld [smem:$0x3FB5];
	_ =	sdelay $0x3  }
0x36: {  	p1 =	seq.s32 s10, $0x1;
	s10 =	sld [smem:$0x3FB6];
	_ =	sdelay $0x3  }
0x37: {  	[smem:$0x3FB6] =	sst s10  }
0x38: {  	s10 =	sld [smem:$0x3FB7]  }
0x39: {  	_ = 	snop;
	(pc) =	sbr.ind lr, $3  }
0x3a: {  	_ = 	snop  }
0x3b: {  	_ = 	snop  }
0x3c: {  	p2 =	seq.s32 s10, $0x1;
	s10 =	sld [smem:$0x3FB6]  }
0x3d: {  	_ =	shalt  }
0x3e: {  	_ =	shalt  }
0x3f: {  	_ =	shalt  }
0x40: {  	_ =	shalt  }
0x41: {  	_ =	shalt  }
0x42: {  	_ =	shalt  }
0x43: {  	_ =	shalt  }
0x44: {  	_ =	shalt  }
0x45: {  	_ =	shalt  }
0x46: {  	_ =	shalt  }
0x47: {  	_ =	shalt  }
0x48: {  	_ =	shalt  }
0x49: {  	_ =	shalt  }
0x4a: {  	_ =	shalt  }
0x4b: {  	_ =	shalt  }
0x4c: {  	_ =	shalt  }
0x4d: {  	_ =	shalt  }
0x4e: {  	_ =	shalt  }
0x4f: {  	_ =	shalt  }
0x50: {  	_ =	shalt  }
0x51: {  	_ =	shalt  }
0x52: {  	_ =	shalt  }
0x53: {  	_ =	shalt  }
0x54: {  	_ =	shalt  }
0x55: {  	_ =	shalt  }
0x56: {  	_ =	shalt  }
0x57: {  	_ =	shalt  }
0x58: {  	_ =	shalt  }
0x59: {  	_ =	shalt  }
0x5a: {  	_ =	shalt  }
0x5b: {  	_ =	shalt  }
0x5c: {  	_ =	shalt  }
0x5d: {  	_ =	shalt  }
0x5e: {  	_ =	shalt  }
0x5f: {  	_ =	shalt  }
0x60: {  	_ =	shalt  }
0x61: {  	_ =	shalt  }
0x62: {  	_ =	shalt  }
0x63: {  	_ =	shalt  }
0x64: {  	_ =	shalt  }
0x65: {  	_ =	shalt  }
0x66: {  	_ =	shalt  }
0x67: {  	_ =	shalt  }
0x68: {  	_ =	shalt  }
0x69: {  	_ =	shalt  }
0x6a: {  	_ =	shalt  }
0x6b: {  	_ =	shalt  }
0x6c: {  	_ =	shalt  }
0x6d: {  	_ =	shalt  }
0x6e: {  	_ =	shalt  }
0x6f: {  	_ =	shalt  }
0x70: {  	_ =	shalt  }
0x71: {  	_ =	shalt  }
0x72: {  	_ =	shalt  }
0x73: {  	_ =	shalt  }
0x74: {  	_ =	shalt  }
0x75: {  	_ =	shalt  }
0x76: {  	_ =	shalt  }
0x77: {  	_ =	shalt  }
0x78: {  	_ =	shalt  }
0x79: {  	_ =	shalt  }
0x7a: {  	_ =	shalt  }
0x7b: {  	_ =	shalt  }
0x7c: {  	_ =	shalt  }
0x7d: {  	_ =	shalt  }
0x7e: {  	_ =	shalt  }
0x7f: {  	_ =	shalt  }
0x80: {  	_ =	shalt  }
0x81: {  	_ =	shalt  }
0x82: {  	_ =	shalt  }
0x83: {  	_ =	shalt  }
0x84: {  	_ =	shalt  }
0x85: {  	_ =	shalt  }
0x86: {  	_ =	shalt  }
0x87: {  	_ =	shalt  }
.Lfunc_end0:
.L_simem_size_0:
called_computation_lowered:
.L_overlay_start_0:
0x88: {  	s2 =	sld [smem:$0x3FD9]  }
0x89: {  	s3 =	sld [smem:$0x3FFE];
	_ =	sdelay $0x1  }
0x8a: {  	s1 =	srdreg.scid  }
0x8b: {  	s0 =	sand.u32 $0x1, s1  }
0x8c: {  	s17 =	sshll.u32 s0, $0xA;
	s2 =	sadd.s32 s3, s2  }
0x8d: {  	s2 =	sadd.s32 s2, s17  }
0x8e: {  	[smem:$0x3FC2] =	sst s2  }
0x8f: {  	_ = 	snop  }
0x90: {  	s2 =	sld [smem:$0x3FD0];
	(tm) =	ssettm $0x1  }
0x91: {  	s18 =	sld [smem:$0x3FFB];
	_ =	sdelay $0x3  }
0x92: {  	_ =	strace s18  }
0x93: {  	s3 =	sld [smem:$0x3FFC];
	_ =	sdelay $0x3  }
0x94: {  	_ =	strace s3  }
0x95: {  	s3 =	sld [smem:$0x3FFD];
	_ =	sdelay $0x3  }
0x96: {  	_ =	strace s3  }
0x97: {  	_ =	strace $0x8FFFFFFF  }
0x98: {  	s19 =	sld [smem:$0x3FDB];
	_ =	sdelay $0x1  }
0x99: {  	s4 =	simm.s32 $_scs_section_size  }
0x9a: {  	s5 =	simm.s32 $_size__tile_overlayer_lowered;
	s6 =	simm.s32 $_tile_overlayer_lowered  }
0x9b: {  	s22 =	simm.s32 $0x1BFF;
	s21 =	sshll.u32 s6, $0x1;
	s3 =	sadd.s32 s4, s19  }
0x9c: {  	s7 =	simm.s32 $0x0;
	s20 =	sshll.u32 s5, $0x1;
	s5 =	sadd.s32 s21, s3  }
0x9d: {  	[timem:s7], [sflag:s22] =	dma.local [hbm:s5], s20  }
0x9e: {  	_ =	swait.ge [sflag:s22], s20  }
0x9f: {  	s4 =	ssub.s32 $0x0, s20;
	[sflag:s22] =	ssyncset.done $0x0  }
0xa0: {  	[sflag:s22] =	ssyncadd.s32 s4;
	_ =	sdelay $0x1  }
0xa1: {  	s23 =	simm.s32 $0x1B8B  }
0xa2: {  	_ =	swait.ge [sflag:s23], $0x1  }
0xa3: {  	[sflag:s23] =	ssyncset.done $0x0  }
0xa4: {  	s25 =	simm.s32 $0x1B8E;
	s24 =	sld [smem:$0x3FFE];
	[sflag:s23] =	ssyncadd.s32 $0xFFFFFFFF  }
0xa5: {  	s26 =	simm.s32 $execute0_lowered;
	[smem:$0x3FD2] =	sst s25  }
0xa6: {  	s5 =	sshll.u32 s26, $0x1;
	_ =	strace $0x80000046;
	[dreg:$0x1] =	wrdreg $0xFFFFFFFF  }
0xa7: {  	s28 =	simm.s32 $_size_execute0_lowered;
	s3 =	sadd.s32 s3, s5;
	[dreg:$0x0] =	wrdreg $0x0  }
0xa8: {  	s5 =	sshll.u32 s28, $0x1;
	[dreg:$0x2] =	wrdreg s3  }
0xa9: {  	[dreg:$0x3] =	wrdreg s5  }
0xaa: {  	[dreg:$0x4] =	wrdreg $0xC0  }
0xab: {  	_ =	task [dreg:s7], $0x5FFFF  }
0xac: {  	[dreg:$0x1] =	wrdreg $0xFFFFFFFF  }
0xad: {  	[dreg:$0x0] =	wrdreg $0x60  }
0xae: {  	[dreg:$0x2] =	wrdreg s2  }
0xaf: {  	[dreg:$0x3] =	wrdreg s24  }
0xb0: {  	[dreg:$0x4] =	wrdreg $0x43000  }
0xb1: {  	[dreg:$0x5] =	wrdreg $0x9  }
0xb2: {  	_ =	task.clear_ibuf [dreg:s7], $0x6FFFF;
	_ =	strace $0x90000046  }
0xb3: {  	s29 =	simm.s32 $0x9;
	_ =	strace $0x80000048  }
0xb4: {  	_ =	swait.ge [sflag:s29], $0x1  }
0xb5: {  	[sflag:s29] =	ssyncadd.s32 $0xFFFFFFFF  }
0xb6: {  	_ =	strace $0x90000048  }
0xb7: {  	_ =	sfence  }
0xb8: {  	s30 =	sld [smem:$0x0];
	_ =	sdelay $0x2  }
0xb9: {  	s31 =	sshll.u32 s1, $0xD;
	s1 =	sshrl.u32 s1, $0x2  }
0xba: {  	s3 =	sand.u32 $0x4000, s31;
	s1 =	sadd.s32 s1, s30  }
0xbb: {  	s0 =	sor.u32 s3, s0;
	s1 =	sshll.u32 s1, $0x11  }
0xbc: {  	s0 =	sor.u32 s1, s0  }
0xbd: {  	s0 =	sadd.s32 $0x8F2B, s0  }
0xbe: {  	[sflag:s0] =	ssyncadd.remote.s32 $0x1  }
0xbf: {  	_ =	sfence.sel $0xFFFF  }
0xc0: {  	[dreg:$0x0] =	wrdreg $0xFFFFFFFF;
	(pc) =	sbr.abs _section_cstart, $3  }
0xc1: {  	[dreg:$0x1] =	wrdreg $0xFFFFFFFF  }
0xc2: {  	_ =	task.clear_ibuf [dreg:s7], $0x2FFFF;
	_ =	strace $0x9FFFFFFF  }
0xc3: {  	(tm) =	ssettm $0x7FFFFFFF  }
tec
execute0_lowered:
.L_overlay_start_1:
0x0: {  	(tag) =	ssettag $0x1  }
0x1: {  	s4 =	rddreg [dreg:$0x0]  }
0x2: {  	s1 =	srdreg.scid;
	s5 =	rddreg [dreg:$0x1]  }
0x3: {  	s0 =	stileid.u32;
	s2 =	rddreg [dreg:$0x2];
	s3 =	simm.s32 $0x0  }
0x4: {  	s11 =	simm.s32 $0x4000;
	s6 =	sand.u32 $0x1, s1;
	s1 =	rddreg [dreg:$0x3]  }
0x5: {  	s12 =	simm.s32 $0x0;
	s7 =	smul.u32 $0x270, s0;
	[smem:$0x7FF] =	sst s3  }
0x6: {  	s10 =	sshll.u32 s0, $0xB;
	s8 =	smul.u32 $0x2710, s6;
	_ =	strace $0x80000047  }
0x7: {  	s9 =	ssub.s32 $0x2, s6;
	s31 =	sshll.u32 s6, $0xF;
	s4 =	sadd.s32 s4, s10  }
0x8: {  	s10 =	simm.s32 $0x50;
	s30 =	sshrl.u32 s9, $0x1;
	s8 =	sadd.s32 s7, s8  }
0x9: {  	s4 =	sadd.s32 s31, s4;
	s9 =	ssub.s32 s9, s30;
	s8 =	sshrl.u32 s8, $0x3  }
0xa: {  	s8 =	sadd.s32 s8, s5;
	s5 =	sadd.s32 s7, s2;
	s7 =	smax.u32 s9, $0x1  }
0xb: {  	v0 =	vimm.f32 $1.000000000e+00;
	v1 =	vimm.f32 $0.0e+00;
	s9 =	simm.s32 $0x4080;
	s6 =	sadd.s32 $0x2A00, s8;
	s8 =	simm.s32 $0x1  }
.LBB2_1:
0xc: {  	[tilespmem:s3], [sflag:$0x1] =	stream.linear.gather [hbm4b:s4+s3], $0x3E80, $0x38;
	[tilespmem:$0x4578] =	vst v63  }
0xd: {  	_ =	swait.ge [sflag:s8], $0x3E80  }
0xe: {  	[sflag:s8] =	ssyncset.done $0x0  }
0xf: {  	[sflag:s8] =	ssyncadd.s32 $0xFFFFC180  }
0x10: {  	[tilespmem:$0x4000] =	vst v0  }
0x11: {  	[tilespmem:$0x4010] =	vst v0  }
0x12: {  	[tilespmem:$0x4020] =	vst v0  }
0x13: {  	[tilespmem:$0x4030] =	vst v0  }
0x14: {  	[tilespmem:$0x4040] =	vst v0  }
0x15: {  	[tilespmem:$0x4080] =	vst v1  }
0x16: {  	[tilespmem:$0x4090] =	vst v1  }
0x17: {  	[tilespmem:$0x40A0] =	vst v1  }
0x18: {  	[tilespmem:$0x40B0] =	vst v1  }
0x19: {  	[tilespmem:$0x40C0] =	vst v1  }
0x1a: {  	[tilespmem:$0x40D0] =	vst v1  }
0x1b: {  	[tilespmem:$0x40E0] =	vst v1  }
0x1c: {  	[tilespmem:$0x40F0] =	vst v1  }
0x1d: {  	[tilespmem:$0x4100] =	vst v1  }
0x1e: {  	[tilespmem:$0x4110] =	vst v1  }
0x1f: {  	[tilespmem:$0x4120] =	vst v1  }
0x20: {  	[tilespmem:$0x4130] =	vst v1  }
0x21: {  	[tilespmem:$0x4140] =	vst v1  }
0x22: {  	[tilespmem:$0x4150] =	vst v1  }
0x23: {  	[tilespmem:$0x4160] =	vst v1  }
0x24: {  	[tilespmem:$0x4170] =	vst v1  }
0x25: {  	[tilespmem:$0x4180] =	vst v1  }
0x26: {  	[tilespmem:$0x4190] =	vst v1  }
0x27: {  	[tilespmem:$0x41A0] =	vst v1  }
0x28: {  	[tilespmem:$0x41B0] =	vst v1  }
0x29: {  	[tilespmem:$0x41C0] =	vst v1  }
0x2a: {  	[tilespmem:$0x41D0] =	vst v1  }
0x2b: {  	[tilespmem:$0x41E0] =	vst v1  }
0x2c: {  	[tilespmem:$0x41F0] =	vst v1  }
0x2d: {  	[tilespmem:$0x4200] =	vst v1  }
0x2e: {  	[tilespmem:$0x4210] =	vst v1  }
0x2f: {  	[tilespmem:$0x4220] =	vst v1  }
0x30: {  	[tilespmem:$0x4230] =	vst v1  }
0x31: {  	[tilespmem:$0x4240] =	vst v1  }
0x32: {  	[tilespmem:$0x4250] =	vst v1  }
0x33: {  	[tilespmem:$0x4260] =	vst v1  }
0x34: {  	[tilespmem:$0x4270] =	vst v1  }
0x35: {  	[tilespmem:$0x4280] =	vst v1  }
0x36: {  	[tilespmem:$0x4290] =	vst v1  }
0x37: {  	[tilespmem:$0x42A0] =	vst v1  }
0x38: {  	[tilespmem:$0x42B0] =	vst v1  }
0x39: {  	[tilespmem:$0x42C0] =	vst v1  }
0x3a: {  	[tilespmem:$0x42D0] =	vst v1  }
0x3b: {  	[tilespmem:$0x42E0] =	vst v1  }
0x3c: {  	[tilespmem:$0x42F0] =	vst v1  }
0x3d: {  	[spmem:s5] =	stream.linear.scatter [tilespmem:s9], [sflag:$0x1], $0x280, $0x38;
	[tilespmem:$0x4578] =	vst v63  }
0x3e: {  	_ =	swait.ge [sflag:s8], $0x280  }
0x3f: {  	[sflag:s8] =	ssyncset.done $0x0  }
0x40: {  	[sflag:s8] =	ssyncadd.s32 $0xFFFFFD80  }
0x41: {  	s13 =	simm.s32 $0x0;
	[bflag:$0x0] =	sbarrier.arrive $0xFFFF  }
0x42: {  	[spmem:s2] =	stream.indirect.scatter.add.f32 [tilespmem:s11], [sflag:$0x1], $0x1, s13, s10, $0xb8;
	[tilespmem:$0x4578] =	vst v63  }
0x43: {  	_ =	swait.ge [sflag:s8], $0x50  }
0x44: {  	s13 =	simm.s32 $0x200;
	[sflag:s8] =	ssyncset.done $0x0  }
.LBB2_2:
0x45: {  	s14 =	sshra.s32 s13, $0x2;
	[sflag:s8] =	ssyncadd.s32 $0xFFFFFFB0;
	p0 =	sne.s32 s13, $0xF800  }
0x46: {  	[spmem:s2] =	stream.indirect.scatter.add.f32 [tilespmem:s11], [sflag:$0x1], $0x1, s14, s10, $0xb8;
	[tilespmem:$0x4578] =	vst v63  }
.Ltmp0:
0x47: {  	_ = 	snop;
	(pc) =	sbr.rel @p0 .LBB2_2-.Ltmp0, $4  }
0x48: {  	_ = 	snop  }
0x49: {  	s13 =	sadd.s32 $0x200, s13  }
0x4a: {  	_ =	swait.ge [sflag:s8], $0x50  }
0x4b: {  	[sflag:s8] =	ssyncset.done $0x0  }
0x4c: {  	[sflag:s8] =	ssyncadd.s32 $0xFFFFFFB0  }
0x4d: {  	[bflag:$0x0] =	sbarrier.arrive $0xFFFF  }
0x4e: {  	[tilespmem:s9], [sflag:$0x1] =	stream.linear.gather [spmem:s5], $0x280, $0x38;
	[tilespmem:$0x4578] =	vst v63  }
0x4f: {  	s12 =	sadd.s32 $0x1, s12;
	_ =	swait.ge [sflag:s8], $0x280  }
0x50: {  	p0 =	sne.s32 s12, s7;
	[sflag:s8] =	ssyncset.done $0x0  }
.Ltmp1:
0x51: {  	[sflag:s8] =	ssyncadd.s32 $0xFFFFFD80;
	(pc) =	sbr.rel @p0 .LBB2_1-.Ltmp1, $4  }
0x52: {  	[hbm4b:s6+s3] =	stream.linear.scatter [tilespmem:s9], [sflag:$0x1], $0x280, $0x38;
	[tilespmem:$0x4578] =	vst v63  }
0x53: {  	_ =	swait.ge [sflag:s8], $0x280  }
0x54: {  	[sflag:s8] =	ssyncset.done $0x0  }
0x55: {  	[sflag:s8] =	ssyncadd.s32 $0xFFFFFD80  }
0x56: {  	_ =	sfence.sel $0x180000  }
0x57: {  	[bflag:$0x0] =	sbarrier.arrive $0xFFFF  }
0x58: {  	p0 =	sne.s32 s0, $0x0;
	_ =	strace $0x90000047  }
0x59: {  	s0 =	sadd.s32 @!p0 $0x100000, s1;
	[bflag:$0x2] =	sbarrier.arrive $0xFFFF  }
0x5a: {  	[sflag:s0] =	ssyncadd.tile.s32 @!p0 $0x1;
	_ =	shalt  }
.Lfunc_end2:
_tile_overlayer_lowered:
.L_overlay_start_2:
0x5b: {  	(tag) =	ssettag $0x2  }
0x5c: {  	s0 =	rddreg [dreg:$0x0];
	s2 =	stileid.u32  }
0x5d: {  	s1 =	rddreg [dreg:$0x1];
	p0 =	sne.s32 s2, $0x0  }
0x5e: {  	s3 =	rddreg [dreg:$0x2];
	[bflag:$0x3] =	sbarrier.arrive $0xFFFF;
	s2 =	simm.s32 @!p0 $0x1C01  }
0x5f: {  	[timem:s3], [sflag:s2] =	dma.local @!p0 [hbm:s0], s1  }
0x60: {  	s0 =	simm.s32 @!p0 $0x1  }
0x61: {  	_ =	swait.ge @!p0 [sflag:s0], s1  }
0x62: {  	s1 =	ssub.s32 @!p0 $0x0, s1;
	[sflag:s0] =	ssyncset.done @!p0 $0x0  }
0x63: {  	[sflag:s0] =	ssyncadd.s32 @!p0 s1  }
0x64: {  	[bflag:$0x3] =	sbarrier.arrive $0xFFFF  }
0x65: {  	_ =	shalt  }

</sc_bundles>
